<compile_context>
chip_gen: v7x
topology: tpu7x:2x2x1
jax: 0.10.2.dev20260603
libtpu: 0.0.44.dev20260713+nightly
codegen_flags: <defaults>
</compile_context>

<pallas_src>
import dataclasses
import functools

import jax
import jax.numpy as jnp
from jax import lax
from jax.experimental import pallas as pl
from jax.experimental.pallas import tpu as pltpu
from jax.experimental.pallas import tpu_sc as plsc

_NC = 2
_NS = 16
_NW = _NC * _NS
_CH = 80
_ZR = 128
_LANES = 16


def _pad_rows(N):
    per = -(-N // _NS)
    per = -(-per // _ZR) * _ZR
    return per * _NS, per


def _make_sc_aggregate(N, D, E, with_hist):
    mesh = plsc.VectorSubcoreMesh(core_axis_name="c", subcore_axis_name="s")
    epw = E // _NW
    NP, rps = _pad_rows(N)
    assert E % (_NW * _CH) == 0 and rps % _ZR == 0

    out_type = [jax.ShapeDtypeStruct((_NC, NP, D), jnp.float32)]
    scratch = [
        pltpu.VMEM((_CH,), jnp.int32),
        pltpu.VMEM((_CH,), jnp.int32),
        pltpu.VMEM((_CH, D), jnp.float32),
        pltpu.VMEM((_ZR, D), jnp.float32),
        pltpu.VMEM_SHARED((NP, D), jnp.float32),
        pltpu.SemaphoreType.DMA,
    ]
    if with_hist:
        out_type.append(jax.ShapeDtypeStruct((_NW, 1, N), jnp.float32))
        scratch.append(pltpu.VMEM((N,), jnp.float32))

    def body(table, src, dst, part_out, *rest):
        if with_hist:
            hist_out, idx_s, idx_d, rows, zbuf, acc, sem, hist = rest
        else:
            idx_s, idx_d, rows, zbuf, acc, sem = rest
            hist_out = hist = None
        c = lax.axis_index("c")
        s = lax.axis_index("s")
        wid = c * _NS + s
        zv = jnp.zeros((_LANES,), jnp.float32)

        @pl.loop(0, _ZR)
        def _(i):
            for k in range(D // _LANES):
                zbuf[i, pl.ds(k * _LANES, _LANES)] = zv

        for t in range(rps // _ZR):
            pltpu.sync_copy(zbuf, acc.at[pl.ds(s * rps + t * _ZR, _ZR)])

        if with_hist:
            @pl.loop(0, N // _LANES)
            def _(i):
                hist[pl.ds(i * _LANES, _LANES)] = zv

        plsc.subcore_barrier()

        base = wid * epw
        ones = jnp.ones((_LANES,), jnp.float32)

        @pl.loop(0, epw // _CH)
        def _(j):
            off = base + j * _CH
            pltpu.sync_copy(src.at[pl.ds(off, _CH)], idx_s)
            pltpu.sync_copy(dst.at[pl.ds(off, _CH)], idx_d)
            pltpu.async_copy(table.at[idx_s], rows, sem).wait()
            pltpu.sync_copy(rows, acc.at[idx_d], add=True)
            if with_hist:
                for k in range(_CH // _LANES):
                    dv = idx_d[pl.ds(k * _LANES, _LANES)]
                    plsc.addupdate_scatter(hist, [dv], ones)

        plsc.subcore_barrier()
        pltpu.sync_copy(acc.at[pl.ds(s * rps, rps)],
                        part_out.at[c, pl.ds(s * rps, rps)])
        if with_hist:
            pltpu.sync_copy(hist, hist_out.at[wid, 0])

    cp = pltpu.CompilerParams()
    if "needs_layout_passes" in pltpu.CompilerParams.__dataclass_fields__:
        cp = dataclasses.replace(cp, needs_layout_passes=False)
    return pl.kernel(body, out_type=tuple(out_type) if with_hist else out_type[0],
                     mesh=mesh, scratch_types=scratch, compiler_params=cp)


def _deg_body(hist_ref, o_ref):
    cnt = jnp.sum(hist_ref[...], axis=(0, 1))
    o_ref[...] = (1.0 / jnp.maximum(cnt, 1.0))[:, None]


def _tc_inv_deg(hist, N):
    return pl.pallas_call(
        _deg_body,
        out_shape=jax.ShapeDtypeStruct((N, 1), jnp.float32),
    )(hist)


def _layer_body(p_ref, invdeg_ref, x_ref, w_ref, b_ref, o_ref):
    p = p_ref[...]
    agg = (p[0] + p[1]) * invdeg_ref[...]
    z = jnp.dot(agg, w_ref[...], preferred_element_type=jnp.float32) + b_ref[...]
    o_ref[...] = jnp.maximum(z, 0.0) + x_ref[...]


def _final_body(p_ref, invdeg_ref, x_ref, w_ref, b_ref, wfc_ref, bfc_ref, o_ref):
    p = p_ref[...]
    agg = (p[0] + p[1]) * invdeg_ref[...]
    z = jnp.dot(agg, w_ref[...], preferred_element_type=jnp.float32) + b_ref[...]
    h = jnp.maximum(z, 0.0) + x_ref[...]
    o_ref[...] = jnp.dot(h, wfc_ref[...],
                         preferred_element_type=jnp.float32) + bfc_ref[...]


def _tc_layer(part, invdeg, x, W, b, BN=1000):
    N, D = x.shape
    return pl.pallas_call(
        _layer_body,
        grid=(N // BN,),
        in_specs=[
            pl.BlockSpec((_NC, BN, D), lambda i: (0, i, 0)),
            pl.BlockSpec((BN, 1), lambda i: (i, 0)),
            pl.BlockSpec((BN, D), lambda i: (i, 0)),
            pl.BlockSpec((D, D), lambda i: (0, 0)),
            pl.BlockSpec((1, D), lambda i: (0, 0)),
        ],
        out_specs=pl.BlockSpec((BN, D), lambda i: (i, 0)),
        out_shape=jax.ShapeDtypeStruct((N, D), jnp.float32),
    )(part, invdeg, x, W, b.reshape(1, D))


def _tc_final(part, invdeg, x, W, b, Wfc, bfc, BN=1000):
    N, D = x.shape
    OUT = Wfc.shape[1]
    return pl.pallas_call(
        _final_body,
        grid=(N // BN,),
        in_specs=[
            pl.BlockSpec((_NC, BN, D), lambda i: (0, i, 0)),
            pl.BlockSpec((BN, 1), lambda i: (i, 0)),
            pl.BlockSpec((BN, D), lambda i: (i, 0)),
            pl.BlockSpec((D, D), lambda i: (0, 0)),
            pl.BlockSpec((1, D), lambda i: (0, 0)),
            pl.BlockSpec((D, OUT), lambda i: (0, 0)),
            pl.BlockSpec((1, OUT), lambda i: (0, 0)),
        ],
        out_specs=pl.BlockSpec((BN, OUT), lambda i: (i, 0)),
        out_shape=jax.ShapeDtypeStruct((N, OUT), jnp.float32),
    )(part, invdeg, x, W, b.reshape(1, D), Wfc, bfc.reshape(1, OUT))


def kernel(x, edge_index, W0, b0, W1, b1, W2, b2, W3, b3, Wfc, bfc):
    N, D = x.shape
    E = edge_index.shape[1]
    agg_first = _make_sc_aggregate(N, D, E, with_hist=True)
    agg_rest = _make_sc_aggregate(N, D, E, with_hist=False)

    src = edge_index[0]
    dst = edge_index[1]
    part, hist = agg_first(x, src, dst)
    invdeg = _tc_inv_deg(hist, N)
    h = _tc_layer(part, invdeg, x, W0, b0)
    for W, b in ((W1, b1), (W2, b2)):
        part = agg_rest(h, src, dst)
        h = _tc_layer(part, invdeg, x, W, b)
    part = agg_rest(h, src, dst)
    out = _tc_final(part, invdeg, x, W3, b3, Wfc, bfc)
    return out[:, 0]

# --- scband reference (transcript-rebuilt; emitter-appended) ---
"""Pipeline reference for scband-afgcn-18030272708968 (READ-ONLY COPY).

The authoritative reference and input builder live on the scoring server;
editing this copy changes nothing except your own understanding.
"""

import jax, jax.numpy as jnp
import numpy as np

N = 10000
E = 320000
D = 128
OUT = 1
NUM_LAYERS = 4


def setup_inputs(seed: int = 0) -> dict:
    key = jax.random.key(seed)
    ks = jax.random.split(key, 16)
    inp = {}
    inp["x"] = jax.random.normal(ks[0], (N, D), dtype=jnp.float32)
    inp["edge_index"] = jax.random.randint(ks[1], (2, E), 0, N, dtype=jnp.int32)
    scale = 1.0 / np.sqrt(D)
    for i in range(NUM_LAYERS):
        inp[f"W{i}"] = jax.random.normal(ks[2 + i], (D, D), dtype=jnp.float32) * scale
        inp[f"b{i}"] = jnp.zeros((D,), dtype=jnp.float32)
    inp["Wfc"] = jax.random.normal(ks[10], (D, OUT), dtype=jnp.float32) * scale
    inp["bfc"] = jnp.zeros((OUT,), dtype=jnp.float32)
    return inp


def _graph_conv(h, src, dst, W, b):
    # message passing: gather source node features, scatter-add into destination nodes
    msg = jnp.take(h, src, axis=0)
    agg = jax.ops.segment_sum(msg, dst, num_segments=N)
    deg = jax.ops.segment_sum(jnp.ones((E,), dtype=jnp.float32), dst, num_segments=N)
    deg = jnp.clip(deg, 1.0, None)
    agg = agg / deg[:, None]
    return agg @ W + b


def reference(x, edge_index, W0, b0, W1, b1, W2, b2, W3, b3, Wfc, bfc):
    src = edge_index[0]
    dst = edge_index[1]
    h0 = x
    h = x
    for W, b in ((W0, b0), (W1, b1), (W2, b2), (W3, b3)):
        h = _graph_conv(h, src, dst, W, b)
        h = jax.nn.relu(h)
        # dropout is identity in eval mode
        h = h + h0
    out = h @ Wfc + bfc
    return out.squeeze(-1)

if __name__ == "__main__":
    import jax
    _d = setup_inputs()
    print(jax.jit(kernel)(*tuple(_d.values())))

</pallas_src>

<mosaic_0001>
#map = affine_map<(d0, d1) -> (0, 0)>
#map1 = affine_map<(d0, d1) -> (0)>
#map2 = affine_map<(d0, d1) -> (0, 0, 0)>
module attributes {stable_mosaic.version = 14 : i64} {
  func.func @body(%arg0: i32, %arg1: i32, %arg2: memref<10000x128xf32, #tpu.memory_space<hbm>>, %arg3: memref<320000xi32, #tpu.memory_space<hbm>>, %arg4: memref<320000xi32, #tpu.memory_space<hbm>>, %arg5: memref<2x10240x128xf32, #tpu.memory_space<hbm>>, %arg6: memref<80xi32, #tpu.memory_space<vmem>>, %arg7: memref<80xi32, #tpu.memory_space<vmem>>, %arg8: memref<80x128xf32, #tpu.memory_space<vmem>>, %arg9: memref<128x128xf32, #tpu.memory_space<vmem>>, %arg10: memref<10240x128xf32, #tpu.memory_space<vmem_shared>>, %arg11: memref<!tpu.dma_semaphore, #tpu.memory_space<semaphore_mem>>) attributes {dimension_semantics = [#tpu.dimension_semantics<core_parallel>, #tpu.dimension_semantics<subcore_parallel>], iteration_bounds = array<i64: 2, 16>, scalar_prefetch = 0 : i64, scratch_operands = 6 : i64, tpu.core_type = #tpu.core_type<sc_vector_subcore>, window_params = [{transform_indices = #map}, {transform_indices = #map1}, {transform_indices = #map1}, {transform_indices = #map2}]} {
    %mul3A = arith.constant 16 : i32
    %mul3A_0 = arith.muli %arg0, %mul3A : i32
    %add3A = arith.addi %mul3A_0, %arg1 : i32
    %broadcast_in_dim3A = arith.constant 0.000000e+00 : f32
    %broadcast_in_dim3A_1 = vector.broadcast %broadcast_in_dim3A : f32 to vector<16xf32>
    %scan3A = arith.constant 0 : i32
    %scan3A_2 = arith.constant 128 : i32
    %scan3A_3 = arith.addi %scan3A, %scan3A_2 : i32
    %scan3A_4 = arith.constant 1 : i32
    scf.for %scan3A_40 = %scan3A to %scan3A_3 step %scan3A_4  : i32 {
      %mul3A_41 = arith.constant 1 : i32
      %mul3A_42 = arith.muli %scan3A_40, %mul3A_41 : i32
      %add3A_43 = arith.constant 0 : i32
      %add3A_44 = arith.addi %add3A_43, %mul3A_42 : i32
      %swap3A = arith.index_cast %add3A_44 : i32 to index
      %swap3A_45 = arith.constant 0 : index
      %swap3A_46 = tpu.vector_load %arg9[%swap3A, %swap3A_45] {strides = array<i32>} : memref<128x128xf32, #tpu.memory_space<vmem>>, vector<16xf32>,
      tpu.vector_store %arg9[%swap3A, %swap3A_45], %broadcast_in_dim3A_1 {strides = array<i32>} : memref<128x128xf32, #tpu.memory_space<vmem>>, vector<16xf32>,
      %swap3A_47 = arith.index_cast %add3A_44 : i32 to index
      %swap3A_48 = arith.constant 16 : index
      %swap3A_49 = tpu.vector_load %arg9[%swap3A_47, %swap3A_48] {strides = array<i32>} : memref<128x128xf32, #tpu.memory_space<vmem>>, vector<16xf32>,
      tpu.vector_store %arg9[%swap3A_47, %swap3A_48], %broadcast_in_dim3A_1 {strides = array<i32>} : memref<128x128xf32, #tpu.memory_space<vmem>>, vector<16xf32>,
      %swap3A_50 = arith.index_cast %add3A_44 : i32 to index
      %swap3A_51 = arith.constant 32 : index
      %swap3A_52 = tpu.vector_load %arg9[%swap3A_50, %swap3A_51] {strides = array<i32>} : memref<128x128xf32, #tpu.memory_space<vmem>>, vector<16xf32>,
      tpu.vector_store %arg9[%swap3A_50, %swap3A_51], %broadcast_in_dim3A_1 {strides = array<i32>} : memref<128x128xf32, #tpu.memory_space<vmem>>, vector<16xf32>,
      %swap3A_53 = arith.index_cast %add3A_44 : i32 to index
      %swap3A_54 = arith.constant 48 : index
      %swap3A_55 = tpu.vector_load %arg9[%swap3A_53, %swap3A_54] {strides = array<i32>} : memref<128x128xf32, #tpu.memory_space<vmem>>, vector<16xf32>,
      tpu.vector_store %arg9[%swap3A_53, %swap3A_54], %broadcast_in_dim3A_1 {strides = array<i32>} : memref<128x128xf32, #tpu.memory_space<vmem>>, vector<16xf32>,
      %swap3A_56 = arith.index_cast %add3A_44 : i32 to index
      %swap3A_57 = arith.constant 64 : index
      %swap3A_58 = tpu.vector_load %arg9[%swap3A_56, %swap3A_57] {strides = array<i32>} : memref<128x128xf32, #tpu.memory_space<vmem>>, vector<16xf32>,
      tpu.vector_store %arg9[%swap3A_56, %swap3A_57], %broadcast_in_dim3A_1 {strides = array<i32>} : memref<128x128xf32, #tpu.memory_space<vmem>>, vector<16xf32>,
      %swap3A_59 = arith.index_cast %add3A_44 : i32 to index
      %swap3A_60 = arith.constant 80 : index
      %swap3A_61 = tpu.vector_load %arg9[%swap3A_59, %swap3A_60] {strides = array<i32>} : memref<128x128xf32, #tpu.memory_space<vmem>>, vector<16xf32>,
      tpu.vector_store %arg9[%swap3A_59, %swap3A_60], %broadcast_in_dim3A_1 {strides = array<i32>} : memref<128x128xf32, #tpu.memory_space<vmem>>, vector<16xf32>,
      %swap3A_62 = arith.index_cast %add3A_44 : i32 to index
      %swap3A_63 = arith.constant 96 : index
      %swap3A_64 = tpu.vector_load %arg9[%swap3A_62, %swap3A_63] {strides = array<i32>} : memref<128x128xf32, #tpu.memory_space<vmem>>, vector<16xf32>,
      tpu.vector_store %arg9[%swap3A_62, %swap3A_63], %broadcast_in_dim3A_1 {strides = array<i32>} : memref<128x128xf32, #tpu.memory_space<vmem>>, vector<16xf32>,
      %swap3A_65 = arith.index_cast %add3A_44 : i32 to index
      %swap3A_66 = arith.constant 112 : index
      %swap3A_67 = tpu.vector_load %arg9[%swap3A_65, %swap3A_66] {strides = array<i32>} : memref<128x128xf32, #tpu.memory_space<vmem>>, vector<16xf32>,
      tpu.vector_store %arg9[%swap3A_65, %swap3A_66], %broadcast_in_dim3A_1 {strides = array<i32>} : memref<128x128xf32, #tpu.memory_space<vmem>>, vector<16xf32>,
    }
    %scan3A_5 = arith.constant 128 : i32
    %mul3A_6 = arith.constant 640 : i32
    %mul3A_7 = arith.muli %arg1, %mul3A_6 : i32
    %add3A_8 = arith.constant 0 : i32
    %add3A_9 = arith.addi %mul3A_7, %add3A_8 : i32
    "tpu.region"() ({
      %run_scoped3A = tpu.sem_alloc : memref<!tpu.dma_semaphore, #tpu.memory_space<semaphore_mem>>
      %dma_start3A = arith.constant 0 : i32
      %dma_start3A_40 = tpu.memref_slice %arg10[%add3A_9, %dma_start3A] : memref<10240x128xf32, #tpu.memory_space<vmem_shared>> -> memref<128x128xf32, #tpu.memory_space<vmem_shared>>
      %dma_start3A_41 = arith.constant 0 : i32
      %dma_start3A_42 = tpu.memref_slice %arg10[%add3A_9, %dma_start3A_41] : memref<10240x128xf32, #tpu.memory_space<vmem_shared>> -> memref<128x128xf32, #tpu.memory_space<vmem_shared>>
      tpu.enqueue_dma source(%arg9 : memref<128x128xf32, #tpu.memory_space<vmem>>) target(%dma_start3A_42 : memref<128x128xf32, #tpu.memory_space<vmem_shared>>) target_semaphore(%run_scoped3A : memref<!tpu.dma_semaphore, #tpu.memory_space<semaphore_mem>>)
      %dma_wait3A = arith.constant 0 : i32
      %dma_wait3A_43 = tpu.memref_slice %arg10[%add3A_9, %dma_wait3A] : memref<10240x128xf32, #tpu.memory_space<vmem_shared>> -> memref<128x128xf32, #tpu.memory_space<vmem_shared>>
      %dma_wait3A_44 = arith.constant 0 : i32
      %dma_wait3A_45 = tpu.memref_slice %arg10[%add3A_9, %dma_wait3A_44] : memref<10240x128xf32, #tpu.memory_space<vmem_shared>> -> memref<128x128xf32, #tpu.memory_space<vmem_shared>>
      tpu.wait_dma2 semaphore(%run_scoped3A : memref<!tpu.dma_semaphore, #tpu.memory_space<semaphore_mem>>) src(%arg9 : memref<128x128xf32, #tpu.memory_space<vmem>>) dst(%dma_wait3A_45 : memref<128x128xf32, #tpu.memory_space<vmem_shared>>)
      tpu.yield
    }) : () -> ()
    %mul3A_10 = arith.constant 640 : i32
    %mul3A_11 = arith.muli %arg1, %mul3A_10 : i32
    %add3A_12 = arith.constant 128 : i32
    %add3A_13 = arith.addi %mul3A_11, %add3A_12 : i32
    "tpu.region"() ({
      %run_scoped3A = tpu.sem_alloc : memref<!tpu.dma_semaphore, #tpu.memory_space<semaphore_mem>>
      %dma_start3A = arith.constant 0 : i32
      %dma_start3A_40 = tpu.memref_slice %arg10[%add3A_13, %dma_start3A] : memref<10240x128xf32, #tpu.memory_space<vmem_shared>> -> memref<128x128xf32, #tpu.memory_space<vmem_shared>>
      %dma_start3A_41 = arith.constant 0 : i32
      %dma_start3A_42 = tpu.memref_slice %arg10[%add3A_13, %dma_start3A_41] : memref<10240x128xf32, #tpu.memory_space<vmem_shared>> -> memref<128x128xf32, #tpu.memory_space<vmem_shared>>
      tpu.enqueue_dma source(%arg9 : memref<128x128xf32, #tpu.memory_space<vmem>>) target(%dma_start3A_42 : memref<128x128xf32, #tpu.memory_space<vmem_shared>>) target_semaphore(%run_scoped3A : memref<!tpu.dma_semaphore, #tpu.memory_space<semaphore_mem>>)
      %dma_wait3A = arith.constant 0 : i32
      %dma_wait3A_43 = tpu.memref_slice %arg10[%add3A_13, %dma_wait3A] : memref<10240x128xf32, #tpu.memory_space<vmem_shared>> -> memref<128x128xf32, #tpu.memory_space<vmem_shared>>
      %dma_wait3A_44 = arith.constant 0 : i32
      %dma_wait3A_45 = tpu.memref_slice %arg10[%add3A_13, %dma_wait3A_44] : memref<10240x128xf32, #tpu.memory_space<vmem_shared>> -> memref<128x128xf32, #tpu.memory_space<vmem_shared>>
      tpu.wait_dma2 semaphore(%run_scoped3A : memref<!tpu.dma_semaphore, #tpu.memory_space<semaphore_mem>>) src(%arg9 : memref<128x128xf32, #tpu.memory_space<vmem>>) dst(%dma_wait3A_45 : memref<128x128xf32, #tpu.memory_space<vmem_shared>>)
      tpu.yield
    }) : () -> ()
    %mul3A_14 = arith.constant 640 : i32
    %mul3A_15 = arith.muli %arg1, %mul3A_14 : i32
    %add3A_16 = arith.constant 256 : i32
    %add3A_17 = arith.addi %mul3A_15, %add3A_16 : i32
    "tpu.region"() ({
      %run_scoped3A = tpu.sem_alloc : memref<!tpu.dma_semaphore, #tpu.memory_space<semaphore_mem>>
      %dma_start3A = arith.constant 0 : i32
      %dma_start3A_40 = tpu.memref_slice %arg10[%add3A_17, %dma_start3A] : memref<10240x128xf32, #tpu.memory_space<vmem_shared>> -> memref<128x128xf32, #tpu.memory_space<vmem_shared>>
      %dma_start3A_41 = arith.constant 0 : i32
      %dma_start3A_42 = tpu.memref_slice %arg10[%add3A_17, %dma_start3A_41] : memref<10240x128xf32, #tpu.memory_space<vmem_shared>> -> memref<128x128xf32, #tpu.memory_space<vmem_shared>>
      tpu.enqueue_dma source(%arg9 : memref<128x128xf32, #tpu.memory_space<vmem>>) target(%dma_start3A_42 : memref<128x128xf32, #tpu.memory_space<vmem_shared>>) target_semaphore(%run_scoped3A : memref<!tpu.dma_semaphore, #tpu.memory_space<semaphore_mem>>)
      %dma_wait3A = arith.constant 0 : i32
      %dma_wait3A_43 = tpu.memref_slice %arg10[%add3A_17, %dma_wait3A] : memref<10240x128xf32, #tpu.memory_space<vmem_shared>> -> memref<128x128xf32, #tpu.memory_space<vmem_shared>>
      %dma_wait3A_44 = arith.constant 0 : i32
      %dma_wait3A_45 = tpu.memref_slice %arg10[%add3A_17, %dma_wait3A_44] : memref<10240x128xf32, #tpu.memory_space<vmem_shared>> -> memref<128x128xf32, #tpu.memory_space<vmem_shared>>
      tpu.wait_dma2 semaphore(%run_scoped3A : memref<!tpu.dma_semaphore, #tpu.memory_space<semaphore_mem>>) src(%arg9 : memref<128x128xf32, #tpu.memory_space<vmem>>) dst(%dma_wait3A_45 : memref<128x128xf32, #tpu.memory_space<vmem_shared>>)
      tpu.yield
    }) : () -> ()
    %mul3A_18 = arith.constant 640 : i32
    %mul3A_19 = arith.muli %arg1, %mul3A_18 : i32
    %add3A_20 = arith.constant 384 : i32
    %add3A_21 = arith.addi %mul3A_19, %add3A_20 : i32
    "tpu.region"() ({
      %run_scoped3A = tpu.sem_alloc : memref<!tpu.dma_semaphore, #tpu.memory_space<semaphore_mem>>
      %dma_start3A = arith.constant 0 : i32
      %dma_start3A_40 = tpu.memref_slice %arg10[%add3A_21, %dma_start3A] : memref<10240x128xf32, #tpu.memory_space<vmem_shared>> -> memref<128x128xf32, #tpu.memory_space<vmem_shared>>
      %dma_start3A_41 = arith.constant 0 : i32
      %dma_start3A_42 = tpu.memref_slice %arg10[%add3A_21, %dma_start3A_41] : memref<10240x128xf32, #tpu.memory_space<vmem_shared>> -> memref<128x128xf32, #tpu.memory_space<vmem_shared>>
      tpu.enqueue_dma source(%arg9 : memref<128x128xf32, #tpu.memory_space<vmem>>) target(%dma_start3A_42 : memref<128x128xf32, #tpu.memory_space<vmem_shared>>) target_semaphore(%run_scoped3A : memref<!tpu.dma_semaphore, #tpu.memory_space<semaphore_mem>>)
      %dma_wait3A = arith.constant 0 : i32
      %dma_wait3A_43 = tpu.memref_slice %arg10[%add3A_21, %dma_wait3A] : memref<10240x128xf32, #tpu.memory_space<vmem_shared>> -> memref<128x128xf32, #tpu.memory_space<vmem_shared>>
      %dma_wait3A_44 = arith.constant 0 : i32
      %dma_wait3A_45 = tpu.memref_slice %arg10[%add3A_21, %dma_wait3A_44] : memref<10240x128xf32, #tpu.memory_space<vmem_shared>> -> memref<128x128xf32, #tpu.memory_space<vmem_shared>>
      tpu.wait_dma2 semaphore(%run_scoped3A : memref<!tpu.dma_semaphore, #tpu.memory_space<semaphore_mem>>) src(%arg9 : memref<128x128xf32, #tpu.memory_space<vmem>>) dst(%dma_wait3A_45 : memref<128x128xf32, #tpu.memory_space<vmem_shared>>)
      tpu.yield
    }) : () -> ()
    %mul3A_22 = arith.constant 640 : i32
    %mul3A_23 = arith.muli %arg1, %mul3A_22 : i32
    %add3A_24 = arith.constant 512 : i32
    %add3A_25 = arith.addi %mul3A_23, %add3A_24 : i32
    "tpu.region"() ({
      %run_scoped3A = tpu.sem_alloc : memref<!tpu.dma_semaphore, #tpu.memory_space<semaphore_mem>>
      %dma_start3A = arith.constant 0 : i32
      %dma_start3A_40 = tpu.memref_slice %arg10[%add3A_25, %dma_start3A] : memref<10240x128xf32, #tpu.memory_space<vmem_shared>> -> memref<128x128xf32, #tpu.memory_space<vmem_shared>>
      %dma_start3A_41 = arith.constant 0 : i32
      %dma_start3A_42 = tpu.memref_slice %arg10[%add3A_25, %dma_start3A_41] : memref<10240x128xf32, #tpu.memory_space<vmem_shared>> -> memref<128x128xf32, #tpu.memory_space<vmem_shared>>
      tpu.enqueue_dma source(%arg9 : memref<128x128xf32, #tpu.memory_space<vmem>>) target(%dma_start3A_42 : memref<128x128xf32, #tpu.memory_space<vmem_shared>>) target_semaphore(%run_scoped3A : memref<!tpu.dma_semaphore, #tpu.memory_space<semaphore_mem>>)
      %dma_wait3A = arith.constant 0 : i32
      %dma_wait3A_43 = tpu.memref_slice %arg10[%add3A_25, %dma_wait3A] : memref<10240x128xf32, #tpu.memory_space<vmem_shared>> -> memref<128x128xf32, #tpu.memory_space<vmem_shared>>
      %dma_wait3A_44 = arith.constant 0 : i32
      %dma_wait3A_45 = tpu.memref_slice %arg10[%add3A_25, %dma_wait3A_44] : memref<10240x128xf32, #tpu.memory_space<vmem_shared>> -> memref<128x128xf32, #tpu.memory_space<vmem_shared>>
      tpu.wait_dma2 semaphore(%run_scoped3A : memref<!tpu.dma_semaphore, #tpu.memory_space<semaphore_mem>>) src(%arg9 : memref<128x128xf32, #tpu.memory_space<vmem>>) dst(%dma_wait3A_45 : memref<128x128xf32, #tpu.memory_space<vmem_shared>>)
      tpu.yield
    }) : () -> ()
    %barrier3A = arith.constant 0 : index
    tpu.barrier barrier_id(%barrier3A)
    %mul3A_26 = arith.constant 10000 : i32
    %mul3A_27 = arith.muli %add3A, %mul3A_26 : i32
    %broadcast_in_dim3A_28 = arith.constant 1.000000e+00 : f32
    %broadcast_in_dim3A_29 = vector.broadcast %broadcast_in_dim3A_28 : f32 to vector<16xf32>
    %scan3A_30 = arith.constant 0 : i32
    %scan3A_31 = arith.constant 125 : i32
    %scan3A_32 = arith.addi %scan3A_30, %scan3A_31 : i32
    %scan3A_33 = arith.constant 1 : i32
    scf.for %scan3A_40 = %scan3A_30 to %scan3A_32 step %scan3A_33  : i32 {
      %mul3A_41 = arith.constant 1 : i32
      %mul3A_42 = arith.muli %scan3A_40, %mul3A_41 : i32
      %add3A_43 = arith.constant 0 : i32
      %add3A_44 = arith.addi %add3A_43, %mul3A_42 : i32
      %mul3A_45 = arith.constant 80 : i32
      %mul3A_46 = arith.muli %add3A_44, %mul3A_45 : i32
      %add3A_47 = arith.addi %mul3A_27, %mul3A_46 : i32
      "tpu.region"() ({
        %run_scoped3A = tpu.sem_alloc : memref<!tpu.dma_semaphore, #tpu.memory_space<semaphore_mem>>
        %dma_start3A_52 = tpu.memref_slice %arg3[%add3A_47] : memref<320000xi32, #tpu.memory_space<hbm>> -> memref<80xi32, #tpu.memory_space<hbm>>
        %dma_start3A_53 = tpu.memref_slice %arg3[%add3A_47] : memref<320000xi32, #tpu.memory_space<hbm>> -> memref<80xi32, #tpu.memory_space<hbm>>
        tpu.enqueue_dma source(%dma_start3A_53 : memref<80xi32, #tpu.memory_space<hbm>>) target(%arg6 : memref<80xi32, #tpu.memory_space<vmem>>) target_semaphore(%run_scoped3A : memref<!tpu.dma_semaphore, #tpu.memory_space<semaphore_mem>>)
        %dma_wait3A_54 = tpu.memref_slice %arg3[%add3A_47] : memref<320000xi32, #tpu.memory_space<hbm>> -> memref<80xi32, #tpu.memory_space<hbm>>
        %dma_wait3A_55 = tpu.memref_slice %arg3[%add3A_47] : memref<320000xi32, #tpu.memory_space<hbm>> -> memref<80xi32, #tpu.memory_space<hbm>>
        tpu.wait_dma2 semaphore(%run_scoped3A : memref<!tpu.dma_semaphore, #tpu.memory_space<semaphore_mem>>) src(%dma_wait3A_55 : memref<80xi32, #tpu.memory_space<hbm>>) dst(%arg6 : memref<80xi32, #tpu.memory_space<vmem>>)
        tpu.yield
      }) : () -> ()
      "tpu.region"() ({
        %run_scoped3A = tpu.sem_alloc : memref<!tpu.dma_semaphore, #tpu.memory_space<semaphore_mem>>
        %dma_start3A_52 = tpu.memref_slice %arg4[%add3A_47] : memref<320000xi32, #tpu.memory_space<hbm>> -> memref<80xi32, #tpu.memory_space<hbm>>
        %dma_start3A_53 = tpu.memref_slice %arg4[%add3A_47] : memref<320000xi32, #tpu.memory_space<hbm>> -> memref<80xi32, #tpu.memory_space<hbm>>
        tpu.enqueue_dma source(%dma_start3A_53 : memref<80xi32, #tpu.memory_space<hbm>>) target(%arg7 : memref<80xi32, #tpu.memory_space<vmem>>) target_semaphore(%run_scoped3A : memref<!tpu.dma_semaphore, #tpu.memory_space<semaphore_mem>>)
        %dma_wait3A_54 = tpu.memref_slice %arg4[%add3A_47] : memref<320000xi32, #tpu.memory_space<hbm>> -> memref<80xi32, #tpu.memory_space<hbm>>
        %dma_wait3A_55 = tpu.memref_slice %arg4[%add3A_47] : memref<320000xi32, #tpu.memory_space<hbm>> -> memref<80xi32, #tpu.memory_space<hbm>>
        tpu.wait_dma2 semaphore(%run_scoped3A : memref<!tpu.dma_semaphore, #tpu.memory_space<semaphore_mem>>) src(%dma_wait3A_55 : memref<80xi32, #tpu.memory_space<hbm>>) dst(%arg7 : memref<80xi32, #tpu.memory_space<vmem>>)
        tpu.yield
      }) : () -> ()
      %dma_start3A = arith.constant 0 : i32
      %dma_start3A_48 = arith.constant 0 : i32
      %dma_start3A_49 = tpu.memref_slice %arg2[%dma_start3A, %dma_start3A_48] : memref<10000x128xf32, #tpu.memory_space<hbm>> -> memref<10000x128xf32, #tpu.memory_space<hbm>>
      tpu.enqueue_indirect_dma source(%dma_start3A_49 : memref<10000x128xf32, #tpu.memory_space<hbm>>) target(%arg8 : memref<80x128xf32, #tpu.memory_space<vmem>>) offsets(%arg6 : memref<80xi32, #tpu.memory_space<vmem>>) semaphore(%arg11 : memref<!tpu.dma_semaphore, #tpu.memory_space<semaphore_mem>>)
      %dma_wait3A = arith.constant 0 : i32
      %dma_wait3A_50 = arith.constant 0 : i32
      %dma_wait3A_51 = tpu.memref_slice %arg2[%dma_wait3A, %dma_wait3A_50] : memref<10000x128xf32, #tpu.memory_space<hbm>> -> memref<10000x128xf32, #tpu.memory_space<hbm>>
      tpu.wait_indirect_dma semaphore(%arg11 : memref<!tpu.dma_semaphore, #tpu.memory_space<semaphore_mem>>) src(%dma_wait3A_51 : memref<10000x128xf32, #tpu.memory_space<hbm>>) dst(%arg8 : memref<80x128xf32, #tpu.memory_space<vmem>>)
      "tpu.region"() ({
        %run_scoped3A = tpu.sem_alloc : memref<!tpu.dma_semaphore, #tpu.memory_space<semaphore_mem>>
        %dma_start3A_52 = arith.constant 0 : i32
        %dma_start3A_53 = arith.constant 0 : i32
        %dma_start3A_54 = tpu.memref_slice %arg10[%dma_start3A_52, %dma_start3A_53] : memref<10240x128xf32, #tpu.memory_space<vmem_shared>> -> memref<10240x128xf32, #tpu.memory_space<vmem_shared>>
        tpu.enqueue_indirect_dma source(%arg8 : memref<80x128xf32, #tpu.memory_space<vmem>>) target(%dma_start3A_54 : memref<10240x128xf32, #tpu.memory_space<vmem_shared>>) offsets(%arg7 : memref<80xi32, #tpu.memory_space<vmem>>) semaphore(%run_scoped3A : memref<!tpu.dma_semaphore, #tpu.memory_space<semaphore_mem>>) {add = true}
        %dma_wait3A_55 = arith.constant 0 : i32
        %dma_wait3A_56 = arith.constant 0 : i32
        %dma_wait3A_57 = tpu.memref_slice %arg10[%dma_wait3A_55, %dma_wait3A_56] : memref<10240x128xf32, #tpu.memory_space<vmem_shared>> -> memref<10240x128xf32, #tpu.memory_space<vmem_shared>>
        tpu.wait_indirect_dma semaphore(%run_scoped3A : memref<!tpu.dma_semaphore, #tpu.memory_space<semaphore_mem>>) src(%arg8 : memref<80x128xf32, #tpu.memory_space<vmem>>) dst(%dma_wait3A_57 : memref<10240x128xf32, #tpu.memory_space<vmem_shared>>)
        tpu.yield
      }) : () -> ()
    }
    %scan3A_34 = arith.constant 125 : i32
    %barrier3A_35 = arith.constant 0 : index
    tpu.barrier barrier_id(%barrier3A_35)
    %mul3A_36 = arith.constant 640 : i32
    %mul3A_37 = arith.muli %arg1, %mul3A_36 : i32
    %mul3A_38 = arith.constant 640 : i32
    %mul3A_39 = arith.muli %arg1, %mul3A_38 : i32
    "tpu.region"() ({
      %run_scoped3A = tpu.sem_alloc : memref<!tpu.dma_semaphore, #tpu.memory_space<semaphore_mem>>
      %dma_start3A = arith.constant 0 : i32
      %dma_start3A_40 = tpu.memref_slice %arg5[%arg0, %mul3A_39, %dma_start3A] : memref<2x10240x128xf32, #tpu.memory_space<hbm>> -> memref<1x640x128xf32, #tpu.memory_space<hbm>>
      %dma_start3A_41 = tpu.memref_squeeze %dma_start3A_40 : memref<1x640x128xf32, #tpu.memory_space<hbm>> -> memref<640x128xf32, #tpu.memory_space<hbm>>
      %dma_start3A_42 = arith.constant 0 : i32
      %dma_start3A_43 = tpu.memref_slice %arg10[%mul3A_37, %dma_start3A_42] : memref<10240x128xf32, #tpu.memory_space<vmem_shared>> -> memref<640x128xf32, #tpu.memory_space<vmem_shared>>
      tpu.enqueue_dma source(%dma_start3A_43 : memref<640x128xf32, #tpu.memory_space<vmem_shared>>) target(%dma_start3A_41 : memref<640x128xf32, #tpu.memory_space<hbm>>) target_semaphore(%run_scoped3A : memref<!tpu.dma_semaphore, #tpu.memory_space<semaphore_mem>>)
      %dma_wait3A = arith.constant 0 : i32
      %dma_wait3A_44 = tpu.memref_slice %arg5[%arg0, %mul3A_39, %dma_wait3A] : memref<2x10240x128xf32, #tpu.memory_space<hbm>> -> memref<1x640x128xf32, #tpu.memory_space<hbm>>
      %dma_wait3A_45 = tpu.memref_squeeze %dma_wait3A_44 : memref<1x640x128xf32, #tpu.memory_space<hbm>> -> memref<640x128xf32, #tpu.memory_space<hbm>>
      %dma_wait3A_46 = arith.constant 0 : i32
      %dma_wait3A_47 = tpu.memref_slice %arg10[%mul3A_37, %dma_wait3A_46] : memref<10240x128xf32, #tpu.memory_space<vmem_shared>> -> memref<640x128xf32, #tpu.memory_space<vmem_shared>>
      tpu.wait_dma2 semaphore(%run_scoped3A : memref<!tpu.dma_semaphore, #tpu.memory_space<semaphore_mem>>) src(%dma_wait3A_47 : memref<640x128xf32, #tpu.memory_space<vmem_shared>>) dst(%dma_wait3A_45 : memref<640x128xf32, #tpu.memory_space<hbm>>)
      tpu.yield
    }) : () -> ()
    return
  }
}

#map = affine_map<(d0, d1) -> (0, 0)>
#map1 = affine_map<(d0, d1) -> (0)>
#map2 = affine_map<(d0, d1) -> (0, 0, 0)>
module attributes {stable_mosaic.version = 14 : i64} {
  func.func @body(%arg0: i32, %arg1: i32, %arg2: memref<10000x128xf32, #tpu.memory_space<hbm>>, %arg3: memref<320000xi32, #tpu.memory_space<hbm>>, %arg4: memref<320000xi32, #tpu.memory_space<hbm>>, %arg5: memref<2x10240x128xf32, #tpu.memory_space<hbm>>, %arg6: memref<80xi32, #tpu.memory_space<vmem>>, %arg7: memref<80xi32, #tpu.memory_space<vmem>>, %arg8: memref<80x128xf32, #tpu.memory_space<vmem>>, %arg9: memref<128x128xf32, #tpu.memory_space<vmem>>, %arg10: memref<10240x128xf32, #tpu.memory_space<vmem_shared>>, %arg11: memref<!tpu.dma_semaphore, #tpu.memory_space<semaphore_mem>>) attributes {dimension_semantics = [#tpu.dimension_semantics<core_parallel>, #tpu.dimension_semantics<subcore_parallel>], iteration_bounds = array<i64: 2, 16>, scalar_prefetch = 0 : i64, scratch_operands = 6 : i64, tpu.core_type = #tpu.core_type<sc_vector_subcore>, window_params = [{transform_indices = #map}, {transform_indices = #map1}, {transform_indices = #map1}, {transform_indices = #map2}]} {
    %mul3A = arith.constant 16 : i32
    %mul3A_0 = arith.muli %arg0, %mul3A : i32
    %add3A = arith.addi %mul3A_0, %arg1 : i32
    %broadcast_in_dim3A = arith.constant 0.000000e+00 : f32
    %broadcast_in_dim3A_1 = vector.broadcast %broadcast_in_dim3A : f32 to vector<16xf32>
    %scan3A = arith.constant 0 : i32
    %scan3A_2 = arith.constant 128 : i32
    %scan3A_3 = arith.addi %scan3A, %scan3A_2 : i32
    %scan3A_4 = arith.constant 1 : i32
    scf.for %scan3A_40 = %scan3A to %scan3A_3 step %scan3A_4  : i32 {
      %mul3A_41 = arith.constant 1 : i32
      %mul3A_42 = arith.muli %scan3A_40, %mul3A_41 : i32
      %add3A_43 = arith.constant 0 : i32
      %add3A_44 = arith.addi %add3A_43, %mul3A_42 : i32
      %swap3A = arith.index_cast %add3A_44 : i32 to index
      %swap3A_45 = arith.constant 0 : index
      %swap3A_46 = tpu.vector_load %arg9[%swap3A, %swap3A_45] {strides = array<i32>} : memref<128x128xf32, #tpu.memory_space<vmem>>, vector<16xf32>,
      tpu.vector_store %arg9[%swap3A, %swap3A_45], %broadcast_in_dim3A_1 {strides = array<i32>} : memref<128x128xf32, #tpu.memory_space<vmem>>, vector<16xf32>,
      %swap3A_47 = arith.index_cast %add3A_44 : i32 to index
      %swap3A_48 = arith.constant 16 : index
      %swap3A_49 = tpu.vector_load %arg9[%swap3A_47, %swap3A_48] {strides = array<i32>} : memref<128x128xf32, #tpu.memory_space<vmem>>, vector<16xf32>,
      tpu.vector_store %arg9[%swap3A_47, %swap3A_48], %broadcast_in_dim3A_1 {strides = array<i32>} : memref<128x128xf32, #tpu.memory_space<vmem>>, vector<16xf32>,
      %swap3A_50 = arith.index_cast %add3A_44 : i32 to index
      %swap3A_51 = arith.constant 32 : index
      %swap3A_52 = tpu.vector_load %arg9[%swap3A_50, %swap3A_51] {strides = array<i32>} : memref<128x128xf32, #tpu.memory_space<vmem>>, vector<16xf32>,
      tpu.vector_store %arg9[%swap3A_50, %swap3A_51], %broadcast_in_dim3A_1 {strides = array<i32>} : memref<128x128xf32, #tpu.memory_space<vmem>>, vector<16xf32>,
      %swap3A_53 = arith.index_cast %add3A_44 : i32 to index
      %swap3A_54 = arith.constant 48 : index
      %swap3A_55 = tpu.vector_load %arg9[%swap3A_53, %swap3A_54] {strides = array<i32>} : memref<128x128xf32, #tpu.memory_space<vmem>>, vector<16xf32>,
      tpu.vector_store %arg9[%swap3A_53, %swap3A_54], %broadcast_in_dim3A_1 {strides = array<i32>} : memref<128x128xf32, #tpu.memory_space<vmem>>, vector<16xf32>,
      %swap3A_56 = arith.index_cast %add3A_44 : i32 to index
      %swap3A_57 = arith.constant 64 : index
      %swap3A_58 = tpu.vector_load %arg9[%swap3A_56, %swap3A_57] {strides = array<i32>} : memref<128x128xf32, #tpu.memory_space<vmem>>, vector<16xf32>,
      tpu.vector_store %arg9[%swap3A_56, %swap3A_57], %broadcast_in_dim3A_1 {strides = array<i32>} : memref<128x128xf32, #tpu.memory_space<vmem>>, vector<16xf32>,
      %swap3A_59 = arith.index_cast %add3A_44 : i32 to index
      %swap3A_60 = arith.constant 80 : index
      %swap3A_61 = tpu.vector_load %arg9[%swap3A_59, %swap3A_60] {strides = array<i32>} : memref<128x128xf32, #tpu.memory_space<vmem>>, vector<16xf32>,
      tpu.vector_store %arg9[%swap3A_59, %swap3A_60], %broadcast_in_dim3A_1 {strides = array<i32>} : memref<128x128xf32, #tpu.memory_space<vmem>>, vector<16xf32>,
      %swap3A_62 = arith.index_cast %add3A_44 : i32 to index
      %swap3A_63 = arith.constant 96 : index
      %swap3A_64 = tpu.vector_load %arg9[%swap3A_62, %swap3A_63] {strides = array<i32>} : memref<128x128xf32, #tpu.memory_space<vmem>>, vector<16xf32>,
      tpu.vector_store %arg9[%swap3A_62, %swap3A_63], %broadcast_in_dim3A_1 {strides = array<i32>} : memref<128x128xf32, #tpu.memory_space<vmem>>, vector<16xf32>,
      %swap3A_65 = arith.index_cast %add3A_44 : i32 to index
      %swap3A_66 = arith.constant 112 : index
      %swap3A_67 = tpu.vector_load %arg9[%swap3A_65, %swap3A_66] {strides = array<i32>} : memref<128x128xf32, #tpu.memory_space<vmem>>, vector<16xf32>,
      tpu.vector_store %arg9[%swap3A_65, %swap3A_66], %broadcast_in_dim3A_1 {strides = array<i32>} : memref<128x128xf32, #tpu.memory_space<vmem>>, vector<16xf32>,
    }
    %scan3A_5 = arith.constant 128 : i32
    %mul3A_6 = arith.constant 640 : i32
    %mul3A_7 = arith.muli %arg1, %mul3A_6 : i32
    %add3A_8 = arith.constant 0 : i32
    %add3A_9 = arith.addi %mul3A_7, %add3A_8 : i32
    "tpu.region"() ({
      %run_scoped3A = tpu.sem_alloc : memref<!tpu.dma_semaphore, #tpu.memory_space<semaphore_mem>>
      %dma_start3A = arith.constant 0 : i32
      %dma_start3A_40 = tpu.memref_slice %arg10[%add3A_9, %dma_start3A] : memref<10240x128xf32, #tpu.memory_space<vmem_shared>> -> memref<128x128xf32, #tpu.memory_space<vmem_shared>>
      %dma_start3A_41 = arith.constant 0 : i32
      %dma_start3A_42 = tpu.memref_slice %arg10[%add3A_9, %dma_start3A_41] : memref<10240x128xf32, #tpu.memory_space<vmem_shared>> -> memref<128x128xf32, #tpu.memory_space<vmem_shared>>
      tpu.enqueue_dma source(%arg9 : memref<128x128xf32, #tpu.memory_space<vmem>>) target(%dma_start3A_42 : memref<128x128xf32, #tpu.memory_space<vmem_shared>>) target_semaphore(%run_scoped3A : memref<!tpu.dma_semaphore, #tpu.memory_space<semaphore_mem>>)
      %dma_wait3A = arith.constant 0 : i32
      %dma_wait3A_43 = tpu.memref_slice %arg10[%add3A_9, %dma_wait3A] : memref<10240x128xf32, #tpu.memory_space<vmem_shared>> -> memref<128x128xf32, #tpu.memory_space<vmem_shared>>
      %dma_wait3A_44 = arith.constant 0 : i32
      %dma_wait3A_45 = tpu.memref_slice %arg10[%add3A_9, %dma_wait3A_44] : memref<10240x128xf32, #tpu.memory_space<vmem_shared>> -> memref<128x128xf32, #tpu.memory_space<vmem_shared>>
      tpu.wait_dma2 semaphore(%run_scoped3A : memref<!tpu.dma_semaphore, #tpu.memory_space<semaphore_mem>>) src(%arg9 : memref<128x128xf32, #tpu.memory_space<vmem>>) dst(%dma_wait3A_45 : memref<128x128xf32, #tpu.memory_space<vmem_shared>>)
      tpu.yield
    }) : () -> ()
    %mul3A_10 = arith.constant 640 : i32
    %mul3A_11 = arith.muli %arg1, %mul3A_10 : i32
    %add3A_12 = arith.constant 128 : i32
    %add3A_13 = arith.addi %mul3A_11, %add3A_12 : i32
    "tpu.region"() ({
      %run_scoped3A = tpu.sem_alloc : memref<!tpu.dma_semaphore, #tpu.memory_space<semaphore_mem>>
      %dma_start3A = arith.constant 0 : i32
      %dma_start3A_40 = tpu.memref_slice %arg10[%add3A_13, %dma_start3A] : memref<10240x128xf32, #tpu.memory_space<vmem_shared>> -> memref<128x128xf32, #tpu.memory_space<vmem_shared>>
      %dma_start3A_41 = arith.constant 0 : i32
      %dma_start3A_42 = tpu.memref_slice %arg10[%add3A_13, %dma_start3A_41] : memref<10240x128xf32, #tpu.memory_space<vmem_shared>> -> memref<128x128xf32, #tpu.memory_space<vmem_shared>>
      tpu.enqueue_dma source(%arg9 : memref<128x128xf32, #tpu.memory_space<vmem>>) target(%dma_start3A_42 : memref<128x128xf32, #tpu.memory_space<vmem_shared>>) target_semaphore(%run_scoped3A : memref<!tpu.dma_semaphore, #tpu.memory_space<semaphore_mem>>)
      %dma_wait3A = arith.constant 0 : i32
      %dma_wait3A_43 = tpu.memref_slice %arg10[%add3A_13, %dma_wait3A] : memref<10240x128xf32, #tpu.memory_space<vmem_shared>> -> memref<128x128xf32, #tpu.memory_space<vmem_shared>>
      %dma_wait3A_44 = arith.constant 0 : i32
      %dma_wait3A_45 = tpu.memref_slice %arg10[%add3A_13, %dma_wait3A_44] : memref<10240x128xf32, #tpu.memory_space<vmem_shared>> -> memref<128x128xf32, #tpu.memory_space<vmem_shared>>
      tpu.wait_dma2 semaphore(%run_scoped3A : memref<!tpu.dma_semaphore, #tpu.memory_space<semaphore_mem>>) src(%arg9 : memref<128x128xf32, #tpu.memory_space<vmem>>) dst(%dma_wait3A_45 : memref<128x128xf32, #tpu.memory_space<vmem_shared>>)
      tpu.yield
    }) : () -> ()
    %mul3A_14 = arith.constant 640 : i32
    %mul3A_15 = arith.muli %arg1, %mul3A_14 : i32
    %add3A_16 = arith.constant 256 : i32
    %add3A_17 = arith.addi %mul3A_15, %add3A_16 : i32
    "tpu.region"() ({
      %run_scoped3A = tpu.sem_alloc : memref<!tpu.dma_semaphore, #tpu.memory_space<semaphore_mem>>
      %dma_start3A = arith.constant 0 : i32
      %dma_start3A_40 = tpu.memref_slice %arg10[%add3A_17, %dma_start3A] : memref<10240x128xf32, #tpu.memory_space<vmem_shared>> -> memref<128x128xf32, #tpu.memory_space<vmem_shared>>
      %dma_start3A_41 = arith.constant 0 : i32
      %dma_start3A_42 = tpu.memref_slice %arg10[%add3A_17, %dma_start3A_41] : memref<10240x128xf32, #tpu.memory_space<vmem_shared>> -> memref<128x128xf32, #tpu.memory_space<vmem_shared>>
      tpu.enqueue_dma source(%arg9 : memref<128x128xf32, #tpu.memory_space<vmem>>) target(%dma_start3A_42 : memref<128x128xf32, #tpu.memory_space<vmem_shared>>) target_semaphore(%run_scoped3A : memref<!tpu.dma_semaphore, #tpu.memory_space<semaphore_mem>>)
      %dma_wait3A = arith.constant 0 : i32
      %dma_wait3A_43 = tpu.memref_slice %arg10[%add3A_17, %dma_wait3A] : memref<10240x128xf32, #tpu.memory_space<vmem_shared>> -> memref<128x128xf32, #tpu.memory_space<vmem_shared>>
      %dma_wait3A_44 = arith.constant 0 : i32
      %dma_wait3A_45 = tpu.memref_slice %arg10[%add3A_17, %dma_wait3A_44] : memref<10240x128xf32, #tpu.memory_space<vmem_shared>> -> memref<128x128xf32, #tpu.memory_space<vmem_shared>>
      tpu.wait_dma2 semaphore(%run_scoped3A : memref<!tpu.dma_semaphore, #tpu.memory_space<semaphore_mem>>) src(%arg9 : memref<128x128xf32, #tpu.memory_space<vmem>>) dst(%dma_wait3A_45 : memref<128x128xf32, #tpu.memory_space<vmem_shared>>)
      tpu.yield
    }) : () -> ()
    %mul3A_18 = arith.constant 640 : i32
    %mul3A_19 = arith.muli %arg1, %mul3A_18 : i32
    %add3A_20 = arith.constant 384 : i32
    %add3A_21 = arith.addi %mul3A_19, %add3A_20 : i32
    "tpu.region"() ({
      %run_scoped3A = tpu.sem_alloc : memref<!tpu.dma_semaphore, #tpu.memory_space<semaphore_mem>>
      %dma_start3A = arith.constant 0 : i32
      %dma_start3A_40 = tpu.memref_slice %arg10[%add3A_21, %dma_start3A] : memref<10240x128xf32, #tpu.memory_space<vmem_shared>> -> memref<128x128xf32, #tpu.memory_space<vmem_shared>>
      %dma_start3A_41 = arith.constant 0 : i32
      %dma_start3A_42 = tpu.memref_slice %arg10[%add3A_21, %dma_start3A_41] : memref<10240x128xf32, #tpu.memory_space<vmem_shared>> -> memref<128x128xf32, #tpu.memory_space<vmem_shared>>
      tpu.enqueue_dma source(%arg9 : memref<128x128xf32, #tpu.memory_space<vmem>>) target(%dma_start3A_42 : memref<128x128xf32, #tpu.memory_space<vmem_shared>>) target_semaphore(%run_scoped3A : memref<!tpu.dma_semaphore, #tpu.memory_space<semaphore_mem>>)
      %dma_wait3A = arith.constant 0 : i32
      %dma_wait3A_43 = tpu.memref_slice %arg10[%add3A_21, %dma_wait3A] : memref<10240x128xf32, #tpu.memory_space<vmem_shared>> -> memref<128x128xf32, #tpu.memory_space<vmem_shared>>
      %dma_wait3A_44 = arith.constant 0 : i32
      %dma_wait3A_45 = tpu.memref_slice %arg10[%add3A_21, %dma_wait3A_44] : memref<10240x128xf32, #tpu.memory_space<vmem_shared>> -> memref<128x128xf32, #tpu.memory_space<vmem_shared>>
      tpu.wait_dma2 semaphore(%run_scoped3A : memref<!tpu.dma_semaphore, #tpu.memory_space<semaphore_mem>>) src(%arg9 : memref<128x128xf32, #tpu.memory_space<vmem>>) dst(%dma_wait3A_45 : memref<128x128xf32, #tpu.memory_space<vmem_shared>>)
      tpu.yield
    }) : () -> ()
    %mul3A_22 = arith.constant 640 : i32
    %mul3A_23 = arith.muli %arg1, %mul3A_22 : i32
    %add3A_24 = arith.constant 512 : i32
    %add3A_25 = arith.addi %mul3A_23, %add3A_24 : i32
    "tpu.region"() ({
      %run_scoped3A = tpu.sem_alloc : memref<!tpu.dma_semaphore, #tpu.memory_space<semaphore_mem>>
      %dma_start3A = arith.constant 0 : i32
      %dma_start3A_40 = tpu.memref_slice %arg10[%add3A_25, %dma_start3A] : memref<10240x128xf32, #tpu.memory_space<vmem_shared>> -> memref<128x128xf32, #tpu.memory_space<vmem_shared>>
      %dma_start3A_41 = arith.constant 0 : i32
      %dma_start3A_42 = tpu.memref_slice %arg10[%add3A_25, %dma_start3A_41] : memref<10240x128xf32, #tpu.memory_space<vmem_shared>> -> memref<128x128xf32, #tpu.memory_space<vmem_shared>>
      tpu.enqueue_dma source(%arg9 : memref<128x128xf32, #tpu.memory_space<vmem>>) target(%dma_start3A_42 : memref<128x128xf32, #tpu.memory_space<vmem_shared>>) target_semaphore(%run_scoped3A : memref<!tpu.dma_semaphore, #tpu.memory_space<semaphore_mem>>)
      %dma_wait3A = arith.constant 0 : i32
      %dma_wait3A_43 = tpu.memref_slice %arg10[%add3A_25, %dma_wait3A] : memref<10240x128xf32, #tpu.memory_space<vmem_shared>> -> memref<128x128xf32, #tpu.memory_space<vmem_shared>>
      %dma_wait3A_44 = arith.constant 0 : i32
      %dma_wait3A_45 = tpu.memref_slice %arg10[%add3A_25, %dma_wait3A_44] : memref<10240x128xf32, #tpu.memory_space<vmem_shared>> -> memref<128x128xf32, #tpu.memory_space<vmem_shared>>
      tpu.wait_dma2 semaphore(%run_scoped3A : memref<!tpu.dma_semaphore, #tpu.memory_space<semaphore_mem>>) src(%arg9 : memref<128x128xf32, #tpu.memory_space<vmem>>) dst(%dma_wait3A_45 : memref<128x128xf32, #tpu.memory_space<vmem_shared>>)
      tpu.yield
    }) : () -> ()
    %barrier3A = arith.constant 0 : index
    tpu.barrier barrier_id(%barrier3A)
    %mul3A_26 = arith.constant 10000 : i32
    %mul3A_27 = arith.muli %add3A, %mul3A_26 : i32
    %broadcast_in_dim3A_28 = arith.constant 1.000000e+00 : f32
    %broadcast_in_dim3A_29 = vector.broadcast %broadcast_in_dim3A_28 : f32 to vector<16xf32>
    %scan3A_30 = arith.constant 0 : i32
    %scan3A_31 = arith.constant 125 : i32
    %scan3A_32 = arith.addi %scan3A_30, %scan3A_31 : i32
    %scan3A_33 = arith.constant 1 : i32
    scf.for %scan3A_40 = %scan3A_30 to %scan3A_32 step %scan3A_33  : i32 {
      %mul3A_41 = arith.constant 1 : i32
      %mul3A_42 = arith.muli %scan3A_40, %mul3A_41 : i32
      %add3A_43 = arith.constant 0 : i32
      %add3A_44 = arith.addi %add3A_43, %mul3A_42 : i32
      %mul3A_45 = arith.constant 80 : i32
      %mul3A_46 = arith.muli %add3A_44, %mul3A_45 : i32
      %add3A_47 = arith.addi %mul3A_27, %mul3A_46 : i32
      "tpu.region"() ({
        %run_scoped3A = tpu.sem_alloc : memref<!tpu.dma_semaphore, #tpu.memory_space<semaphore_mem>>
        %dma_start3A_52 = tpu.memref_slice %arg3[%add3A_47] : memref<320000xi32, #tpu.memory_space<hbm>> -> memref<80xi32, #tpu.memory_space<hbm>>
        %dma_start3A_53 = tpu.memref_slice %arg3[%add3A_47] : memref<320000xi32, #tpu.memory_space<hbm>> -> memref<80xi32, #tpu.memory_space<hbm>>
        tpu.enqueue_dma source(%dma_start3A_53 : memref<80xi32, #tpu.memory_space<hbm>>) target(%arg6 : memref<80xi32, #tpu.memory_space<vmem>>) target_semaphore(%run_scoped3A : memref<!tpu.dma_semaphore, #tpu.memory_space<semaphore_mem>>)
        %dma_wait3A_54 = tpu.memref_slice %arg3[%add3A_47] : memref<320000xi32, #tpu.memory_space<hbm>> -> memref<80xi32, #tpu.memory_space<hbm>>
        %dma_wait3A_55 = tpu.memref_slice %arg3[%add3A_47] : memref<320000xi32, #tpu.memory_space<hbm>> -> memref<80xi32, #tpu.memory_space<hbm>>
        tpu.wait_dma2 semaphore(%run_scoped3A : memref<!tpu.dma_semaphore, #tpu.memory_space<semaphore_mem>>) src(%dma_wait3A_55 : memref<80xi32, #tpu.memory_space<hbm>>) dst(%arg6 : memref<80xi32, #tpu.memory_space<vmem>>)
        tpu.yield
      }) : () -> ()
      "tpu.region"() ({
        %run_scoped3A = tpu.sem_alloc : memref<!tpu.dma_semaphore, #tpu.memory_space<semaphore_mem>>
        %dma_start3A_52 = tpu.memref_slice %arg4[%add3A_47] : memref<320000xi32, #tpu.memory_space<hbm>> -> memref<80xi32, #tpu.memory_space<hbm>>
        %dma_start3A_53 = tpu.memref_slice %arg4[%add3A_47] : memref<320000xi32, #tpu.memory_space<hbm>> -> memref<80xi32, #tpu.memory_space<hbm>>
        tpu.enqueue_dma source(%dma_start3A_53 : memref<80xi32, #tpu.memory_space<hbm>>) target(%arg7 : memref<80xi32, #tpu.memory_space<vmem>>) target_semaphore(%run_scoped3A : memref<!tpu.dma_semaphore, #tpu.memory_space<semaphore_mem>>)
        %dma_wait3A_54 = tpu.memref_slice %arg4[%add3A_47] : memref<320000xi32, #tpu.memory_space<hbm>> -> memref<80xi32, #tpu.memory_space<hbm>>
        %dma_wait3A_55 = tpu.memref_slice %arg4[%add3A_47] : memref<320000xi32, #tpu.memory_space<hbm>> -> memref<80xi32, #tpu.memory_space<hbm>>
        tpu.wait_dma2 semaphore(%run_scoped3A : memref<!tpu.dma_semaphore, #tpu.memory_space<semaphore_mem>>) src(%dma_wait3A_55 : memref<80xi32, #tpu.memory_space<hbm>>) dst(%arg7 : memref<80xi32, #tpu.memory_space<vmem>>)
        tpu.yield
      }) : () -> ()
      %dma_start3A = arith.constant 0 : i32
      %dma_start3A_48 = arith.constant 0 : i32
      %dma_start3A_49 = tpu.memref_slice %arg2[%dma_start3A, %dma_start3A_48] : memref<10000x128xf32, #tpu.memory_space<hbm>> -> memref<10000x128xf32, #tpu.memory_space<hbm>>
      tpu.enqueue_indirect_dma source(%dma_start3A_49 : memref<10000x128xf32, #tpu.memory_space<hbm>>) target(%arg8 : memref<80x128xf32, #tpu.memory_space<vmem>>) offsets(%arg6 : memref<80xi32, #tpu.memory_space<vmem>>) semaphore(%arg11 : memref<!tpu.dma_semaphore, #tpu.memory_space<semaphore_mem>>)
      %dma_wait3A = arith.constant 0 : i32
      %dma_wait3A_50 = arith.constant 0 : i32
      %dma_wait3A_51 = tpu.memref_slice %arg2[%dma_wait3A, %dma_wait3A_50] : memref<10000x128xf32, #tpu.memory_space<hbm>> -> memref<10000x128xf32, #tpu.memory_space<hbm>>
      tpu.wait_indirect_dma semaphore(%arg11 : memref<!tpu.dma_semaphore, #tpu.memory_space<semaphore_mem>>) src(%dma_wait3A_51 : memref<10000x128xf32, #tpu.memory_space<hbm>>) dst(%arg8 : memref<80x128xf32, #tpu.memory_space<vmem>>)
      "tpu.region"() ({
        %run_scoped3A = tpu.sem_alloc : memref<!tpu.dma_semaphore, #tpu.memory_space<semaphore_mem>>
        %dma_start3A_52 = arith.constant 0 : i32
        %dma_start3A_53 = arith.constant 0 : i32
        %dma_start3A_54 = tpu.memref_slice %arg10[%dma_start3A_52, %dma_start3A_53] : memref<10240x128xf32, #tpu.memory_space<vmem_shared>> -> memref<10240x128xf32, #tpu.memory_space<vmem_shared>>
        tpu.enqueue_indirect_dma source(%arg8 : memref<80x128xf32, #tpu.memory_space<vmem>>) target(%dma_start3A_54 : memref<10240x128xf32, #tpu.memory_space<vmem_shared>>) offsets(%arg7 : memref<80xi32, #tpu.memory_space<vmem>>) semaphore(%run_scoped3A : memref<!tpu.dma_semaphore, #tpu.memory_space<semaphore_mem>>) {add = true}
        %dma_wait3A_55 = arith.constant 0 : i32
        %dma_wait3A_56 = arith.constant 0 : i32
        %dma_wait3A_57 = tpu.memref_slice %arg10[%dma_wait3A_55, %dma_wait3A_56] : memref<10240x128xf32, #tpu.memory_space<vmem_shared>> -> memref<10240x128xf32, #tpu.memory_space<vmem_shared>>
        tpu.wait_indirect_dma semaphore(%run_scoped3A : memref<!tpu.dma_semaphore, #tpu.memory_space<semaphore_mem>>) src(%arg8 : memref<80x128xf32, #tpu.memory_space<vmem>>) dst(%dma_wait3A_57 : memref<10240x128xf32, #tpu.memory_space<vmem_shared>>)
        tpu.yield
      }) : () -> ()
    }
    %scan3A_34 = arith.constant 125 : i32
    %barrier3A_35 = arith.constant 0 : index
    tpu.barrier barrier_id(%barrier3A_35)
    %mul3A_36 = arith.constant 640 : i32
    %mul3A_37 = arith.muli %arg1, %mul3A_36 : i32
    %mul3A_38 = arith.constant 640 : i32
    %mul3A_39 = arith.muli %arg1, %mul3A_38 : i32
    "tpu.region"() ({
      %run_scoped3A = tpu.sem_alloc : memref<!tpu.dma_semaphore, #tpu.memory_space<semaphore_mem>>
      %dma_start3A = arith.constant 0 : i32
      %dma_start3A_40 = tpu.memref_slice %arg5[%arg0, %mul3A_39, %dma_start3A] : memref<2x10240x128xf32, #tpu.memory_space<hbm>> -> memref<1x640x128xf32, #tpu.memory_space<hbm>>
      %dma_start3A_41 = tpu.memref_squeeze %dma_start3A_40 : memref<1x640x128xf32, #tpu.memory_space<hbm>> -> memref<640x128xf32, #tpu.memory_space<hbm>>
      %dma_start3A_42 = arith.constant 0 : i32
      %dma_start3A_43 = tpu.memref_slice %arg10[%mul3A_37, %dma_start3A_42] : memref<10240x128xf32, #tpu.memory_space<vmem_shared>> -> memref<640x128xf32, #tpu.memory_space<vmem_shared>>
      tpu.enqueue_dma source(%dma_start3A_43 : memref<640x128xf32, #tpu.memory_space<vmem_shared>>) target(%dma_start3A_41 : memref<640x128xf32, #tpu.memory_space<hbm>>) target_semaphore(%run_scoped3A : memref<!tpu.dma_semaphore, #tpu.memory_space<semaphore_mem>>)
      %dma_wait3A = arith.constant 0 : i32
      %dma_wait3A_44 = tpu.memref_slice %arg5[%arg0, %mul3A_39, %dma_wait3A] : memref<2x10240x128xf32, #tpu.memory_space<hbm>> -> memref<1x640x128xf32, #tpu.memory_space<hbm>>
      %dma_wait3A_45 = tpu.memref_squeeze %dma_wait3A_44 : memref<1x640x128xf32, #tpu.memory_space<hbm>> -> memref<640x128xf32, #tpu.memory_space<hbm>>
      %dma_wait3A_46 = arith.constant 0 : i32
      %dma_wait3A_47 = tpu.memref_slice %arg10[%mul3A_37, %dma_wait3A_46] : memref<10240x128xf32, #tpu.memory_space<vmem_shared>> -> memref<640x128xf32, #tpu.memory_space<vmem_shared>>
      tpu.wait_dma2 semaphore(%run_scoped3A : memref<!tpu.dma_semaphore, #tpu.memory_space<semaphore_mem>>) src(%dma_wait3A_47 : memref<640x128xf32, #tpu.memory_space<vmem_shared>>) dst(%dma_wait3A_45 : memref<640x128xf32, #tpu.memory_space<hbm>>)
      tpu.yield
    }) : () -> ()
    return
  }
}

#map = affine_map<(d0, d1) -> (0, 0)>
#map1 = affine_map<(d0, d1) -> (0)>
#map2 = affine_map<(d0, d1) -> (0, 0, 0)>
module attributes {stable_mosaic.version = 14 : i64} {
  func.func @body(%arg0: i32, %arg1: i32, %arg2: memref<10000x128xf32, #tpu.memory_space<hbm>>, %arg3: memref<320000xi32, #tpu.memory_space<hbm>>, %arg4: memref<320000xi32, #tpu.memory_space<hbm>>, %arg5: memref<2x10240x128xf32, #tpu.memory_space<hbm>>, %arg6: memref<80xi32, #tpu.memory_space<vmem>>, %arg7: memref<80xi32, #tpu.memory_space<vmem>>, %arg8: memref<80x128xf32, #tpu.memory_space<vmem>>, %arg9: memref<128x128xf32, #tpu.memory_space<vmem>>, %arg10: memref<10240x128xf32, #tpu.memory_space<vmem_shared>>, %arg11: memref<!tpu.dma_semaphore, #tpu.memory_space<semaphore_mem>>) attributes {dimension_semantics = [#tpu.dimension_semantics<core_parallel>, #tpu.dimension_semantics<subcore_parallel>], iteration_bounds = array<i64: 2, 16>, scalar_prefetch = 0 : i64, scratch_operands = 6 : i64, tpu.core_type = #tpu.core_type<sc_vector_subcore>, window_params = [{transform_indices = #map}, {transform_indices = #map1}, {transform_indices = #map1}, {transform_indices = #map2}]} {
    %mul3A = arith.constant 16 : i32
    %mul3A_0 = arith.muli %arg0, %mul3A : i32
    %add3A = arith.addi %mul3A_0, %arg1 : i32
    %broadcast_in_dim3A = arith.constant 0.000000e+00 : f32
    %broadcast_in_dim3A_1 = vector.broadcast %broadcast_in_dim3A : f32 to vector<16xf32>
    %scan3A = arith.constant 0 : i32
    %scan3A_2 = arith.constant 128 : i32
    %scan3A_3 = arith.addi %scan3A, %scan3A_2 : i32
    %scan3A_4 = arith.constant 1 : i32
    scf.for %scan3A_40 = %scan3A to %scan3A_3 step %scan3A_4  : i32 {
      %mul3A_41 = arith.constant 1 : i32
      %mul3A_42 = arith.muli %scan3A_40, %mul3A_41 : i32
      %add3A_43 = arith.constant 0 : i32
      %add3A_44 = arith.addi %add3A_43, %mul3A_42 : i32
      %swap3A = arith.index_cast %add3A_44 : i32 to index
      %swap3A_45 = arith.constant 0 : index
      %swap3A_46 = tpu.vector_load %arg9[%swap3A, %swap3A_45] {strides = array<i32>} : memref<128x128xf32, #tpu.memory_space<vmem>>, vector<16xf32>,
      tpu.vector_store %arg9[%swap3A, %swap3A_45], %broadcast_in_dim3A_1 {strides = array<i32>} : memref<128x128xf32, #tpu.memory_space<vmem>>, vector<16xf32>,
      %swap3A_47 = arith.index_cast %add3A_44 : i32 to index
      %swap3A_48 = arith.constant 16 : index
      %swap3A_49 = tpu.vector_load %arg9[%swap3A_47, %swap3A_48] {strides = array<i32>} : memref<128x128xf32, #tpu.memory_space<vmem>>, vector<16xf32>,
      tpu.vector_store %arg9[%swap3A_47, %swap3A_48], %broadcast_in_dim3A_1 {strides = array<i32>} : memref<128x128xf32, #tpu.memory_space<vmem>>, vector<16xf32>,
      %swap3A_50 = arith.index_cast %add3A_44 : i32 to index
      %swap3A_51 = arith.constant 32 : index
      %swap3A_52 = tpu.vector_load %arg9[%swap3A_50, %swap3A_51] {strides = array<i32>} : memref<128x128xf32, #tpu.memory_space<vmem>>, vector<16xf32>,
      tpu.vector_store %arg9[%swap3A_50, %swap3A_51], %broadcast_in_dim3A_1 {strides = array<i32>} : memref<128x128xf32, #tpu.memory_space<vmem>>, vector<16xf32>,
      %swap3A_53 = arith.index_cast %add3A_44 : i32 to index
      %swap3A_54 = arith.constant 48 : index
      %swap3A_55 = tpu.vector_load %arg9[%swap3A_53, %swap3A_54] {strides = array<i32>} : memref<128x128xf32, #tpu.memory_space<vmem>>, vector<16xf32>,
      tpu.vector_store %arg9[%swap3A_53, %swap3A_54], %broadcast_in_dim3A_1 {strides = array<i32>} : memref<128x128xf32, #tpu.memory_space<vmem>>, vector<16xf32>,
      %swap3A_56 = arith.index_cast %add3A_44 : i32 to index
      %swap3A_57 = arith.constant 64 : index
      %swap3A_58 = tpu.vector_load %arg9[%swap3A_56, %swap3A_57] {strides = array<i32>} : memref<128x128xf32, #tpu.memory_space<vmem>>, vector<16xf32>,
      tpu.vector_store %arg9[%swap3A_56, %swap3A_57], %broadcast_in_dim3A_1 {strides = array<i32>} : memref<128x128xf32, #tpu.memory_space<vmem>>, vector<16xf32>,
      %swap3A_59 = arith.index_cast %add3A_44 : i32 to index
      %swap3A_60 = arith.constant 80 : index
      %swap3A_61 = tpu.vector_load %arg9[%swap3A_59, %swap3A_60] {strides = array<i32>} : memref<128x128xf32, #tpu.memory_space<vmem>>, vector<16xf32>,
      tpu.vector_store %arg9[%swap3A_59, %swap3A_60], %broadcast_in_dim3A_1 {strides = array<i32>} : memref<128x128xf32, #tpu.memory_space<vmem>>, vector<16xf32>,
      %swap3A_62 = arith.index_cast %add3A_44 : i32 to index
      %swap3A_63 = arith.constant 96 : index
      %swap3A_64 = tpu.vector_load %arg9[%swap3A_62, %swap3A_63] {strides = array<i32>} : memref<128x128xf32, #tpu.memory_space<vmem>>, vector<16xf32>,
      tpu.vector_store %arg9[%swap3A_62, %swap3A_63], %broadcast_in_dim3A_1 {strides = array<i32>} : memref<128x128xf32, #tpu.memory_space<vmem>>, vector<16xf32>,
      %swap3A_65 = arith.index_cast %add3A_44 : i32 to index
      %swap3A_66 = arith.constant 112 : index
      %swap3A_67 = tpu.vector_load %arg9[%swap3A_65, %swap3A_66] {strides = array<i32>} : memref<128x128xf32, #tpu.memory_space<vmem>>, vector<16xf32>,
      tpu.vector_store %arg9[%swap3A_65, %swap3A_66], %broadcast_in_dim3A_1 {strides = array<i32>} : memref<128x128xf32, #tpu.memory_space<vmem>>, vector<16xf32>,
    }
    %scan3A_5 = arith.constant 128 : i32
    %mul3A_6 = arith.constant 640 : i32
    %mul3A_7 = arith.muli %arg1, %mul3A_6 : i32
    %add3A_8 = arith.constant 0 : i32
    %add3A_9 = arith.addi %mul3A_7, %add3A_8 : i32
    "tpu.region"() ({
      %run_scoped3A = tpu.sem_alloc : memref<!tpu.dma_semaphore, #tpu.memory_space<semaphore_mem>>
      %dma_start3A = arith.constant 0 : i32
      %dma_start3A_40 = tpu.memref_slice %arg10[%add3A_9, %dma_start3A] : memref<10240x128xf32, #tpu.memory_space<vmem_shared>> -> memref<128x128xf32, #tpu.memory_space<vmem_shared>>
      %dma_start3A_41 = arith.constant 0 : i32
      %dma_start3A_42 = tpu.memref_slice %arg10[%add3A_9, %dma_start3A_41] : memref<10240x128xf32, #tpu.memory_space<vmem_shared>> -> memref<128x128xf32, #tpu.memory_space<vmem_shared>>
      tpu.enqueue_dma source(%arg9 : memref<128x128xf32, #tpu.memory_space<vmem>>) target(%dma_start3A_42 : memref<128x128xf32, #tpu.memory_space<vmem_shared>>) target_semaphore(%run_scoped3A : memref<!tpu.dma_semaphore, #tpu.memory_space<semaphore_mem>>)
      %dma_wait3A = arith.constant 0 : i32
      %dma_wait3A_43 = tpu.memref_slice %arg10[%add3A_9, %dma_wait3A] : memref<10240x128xf32, #tpu.memory_space<vmem_shared>> -> memref<128x128xf32, #tpu.memory_space<vmem_shared>>
      %dma_wait3A_44 = arith.constant 0 : i32
      %dma_wait3A_45 = tpu.memref_slice %arg10[%add3A_9, %dma_wait3A_44] : memref<10240x128xf32, #tpu.memory_space<vmem_shared>> -> memref<128x128xf32, #tpu.memory_space<vmem_shared>>
      tpu.wait_dma2 semaphore(%run_scoped3A : memref<!tpu.dma_semaphore, #tpu.memory_space<semaphore_mem>>) src(%arg9 : memref<128x128xf32, #tpu.memory_space<vmem>>) dst(%dma_wait3A_45 : memref<128x128xf32, #tpu.memory_space<vmem_shared>>)
      tpu.yield
    }) : () -> ()
    %mul3A_10 = arith.constant 640 : i32
    %mul3A_11 = arith.muli %arg1, %mul3A_10 : i32
    %add3A_12 = arith.constant 128 : i32
    %add3A_13 = arith.addi %mul3A_11, %add3A_12 : i32
    "tpu.region"() ({
      %run_scoped3A = tpu.sem_alloc : memref<!tpu.dma_semaphore, #tpu.memory_space<semaphore_mem>>
      %dma_start3A = arith.constant 0 : i32
      %dma_start3A_40 = tpu.memref_slice %arg10[%add3A_13, %dma_start3A] : memref<10240x128xf32, #tpu.memory_space<vmem_shared>> -> memref<128x128xf32, #tpu.memory_space<vmem_shared>>
      %dma_start3A_41 = arith.constant 0 : i32
      %dma_start3A_42 = tpu.memref_slice %arg10[%add3A_13, %dma_start3A_41] : memref<10240x128xf32, #tpu.memory_space<vmem_shared>> -> memref<128x128xf32, #tpu.memory_space<vmem_shared>>
      tpu.enqueue_dma source(%arg9 : memref<128x128xf32, #tpu.memory_space<vmem>>) target(%dma_start3A_42 : memref<128x128xf32, #tpu.memory_space<vmem_shared>>) target_semaphore(%run_scoped3A : memref<!tpu.dma_semaphore, #tpu.memory_space<semaphore_mem>>)
      %dma_wait3A = arith.constant 0 : i32
      %dma_wait3A_43 = tpu.memref_slice %arg10[%add3A_13, %dma_wait3A] : memref<10240x128xf32, #tpu.memory_space<vmem_shared>> -> memref<128x128xf32, #tpu.memory_space<vmem_shared>>
      %dma_wait3A_44 = arith.constant 0 : i32
      %dma_wait3A_45 = tpu.memref_slice %arg10[%add3A_13, %dma_wait3A_44] : memref<10240x128xf32, #tpu.memory_space<vmem_shared>> -> memref<128x128xf32, #tpu.memory_space<vmem_shared>>
      tpu.wait_dma2 semaphore(%run_scoped3A : memref<!tpu.dma_semaphore, #tpu.memory_space<semaphore_mem>>) src(%arg9 : memref<128x128xf32, #tpu.memory_space<vmem>>) dst(%dma_wait3A_45 : memref<128x128xf32, #tpu.memory_space<vmem_shared>>)
      tpu.yield
    }) : () -> ()
    %mul3A_14 = arith.constant 640 : i32
    %mul3A_15 = arith.muli %arg1, %mul3A_14 : i32
    %add3A_16 = arith.constant 256 : i32
    %add3A_17 = arith.addi %mul3A_15, %add3A_16 : i32
    "tpu.region"() ({
      %run_scoped3A = tpu.sem_alloc : memref<!tpu.dma_semaphore, #tpu.memory_space<semaphore_mem>>
      %dma_start3A = arith.constant 0 : i32
      %dma_start3A_40 = tpu.memref_slice %arg10[%add3A_17, %dma_start3A] : memref<10240x128xf32, #tpu.memory_space<vmem_shared>> -> memref<128x128xf32, #tpu.memory_space<vmem_shared>>
      %dma_start3A_41 = arith.constant 0 : i32
      %dma_start3A_42 = tpu.memref_slice %arg10[%add3A_17, %dma_start3A_41] : memref<10240x128xf32, #tpu.memory_space<vmem_shared>> -> memref<128x128xf32, #tpu.memory_space<vmem_shared>>
      tpu.enqueue_dma source(%arg9 : memref<128x128xf32, #tpu.memory_space<vmem>>) target(%dma_start3A_42 : memref<128x128xf32, #tpu.memory_space<vmem_shared>>) target_semaphore(%run_scoped3A : memref<!tpu.dma_semaphore, #tpu.memory_space<semaphore_mem>>)
      %dma_wait3A = arith.constant 0 : i32
      %dma_wait3A_43 = tpu.memref_slice %arg10[%add3A_17, %dma_wait3A] : memref<10240x128xf32, #tpu.memory_space<vmem_shared>> -> memref<128x128xf32, #tpu.memory_space<vmem_shared>>
      %dma_wait3A_44 = arith.constant 0 : i32
      %dma_wait3A_45 = tpu.memref_slice %arg10[%add3A_17, %dma_wait3A_44] : memref<10240x128xf32, #tpu.memory_space<vmem_shared>> -> memref<128x128xf32, #tpu.memory_space<vmem_shared>>
      tpu.wait_dma2 semaphore(%run_scoped3A : memref<!tpu.dma_semaphore, #tpu.memory_space<semaphore_mem>>) src(%arg9 : memref<128x128xf32, #tpu.memory_space<vmem>>) dst(%dma_wait3A_45 : memref<128x128xf32, #tpu.memory_space<vmem_shared>>)
      tpu.yield
    }) : () -> ()
    %mul3A_18 = arith.constant 640 : i32
    %mul3A_19 = arith.muli %arg1, %mul3A_18 : i32
    %add3A_20 = arith.constant 384 : i32
    %add3A_21 = arith.addi %mul3A_19, %add3A_20 : i32
    "tpu.region"() ({
      %run_scoped3A = tpu.sem_alloc : memref<!tpu.dma_semaphore, #tpu.memory_space<semaphore_mem>>
      %dma_start3A = arith.constant 0 : i32
      %dma_start3A_40 = tpu.memref_slice %arg10[%add3A_21, %dma_start3A] : memref<10240x128xf32, #tpu.memory_space<vmem_shared>> -> memref<128x128xf32, #tpu.memory_space<vmem_shared>>
      %dma_start3A_41 = arith.constant 0 : i32
      %dma_start3A_42 = tpu.memref_slice %arg10[%add3A_21, %dma_start3A_41] : memref<10240x128xf32, #tpu.memory_space<vmem_shared>> -> memref<128x128xf32, #tpu.memory_space<vmem_shared>>
      tpu.enqueue_dma source(%arg9 : memref<128x128xf32, #tpu.memory_space<vmem>>) target(%dma_start3A_42 : memref<128x128xf32, #tpu.memory_space<vmem_shared>>) target_semaphore(%run_scoped3A : memref<!tpu.dma_semaphore, #tpu.memory_space<semaphore_mem>>)
      %dma_wait3A = arith.constant 0 : i32
      %dma_wait3A_43 = tpu.memref_slice %arg10[%add3A_21, %dma_wait3A] : memref<10240x128xf32, #tpu.memory_space<vmem_shared>> -> memref<128x128xf32, #tpu.memory_space<vmem_shared>>
      %dma_wait3A_44 = arith.constant 0 : i32
      %dma_wait3A_45 = tpu.memref_slice %arg10[%add3A_21, %dma_wait3A_44] : memref<10240x128xf32, #tpu.memory_space<vmem_shared>> -> memref<128x128xf32, #tpu.memory_space<vmem_shared>>
      tpu.wait_dma2 semaphore(%run_scoped3A : memref<!tpu.dma_semaphore, #tpu.memory_space<semaphore_mem>>) src(%arg9 : memref<128x128xf32, #tpu.memory_space<vmem>>) dst(%dma_wait3A_45 : memref<128x128xf32, #tpu.memory_space<vmem_shared>>)
      tpu.yield
    }) : () -> ()
    %mul3A_22 = arith.constant 640 : i32
    %mul3A_23 = arith.muli %arg1, %mul3A_22 : i32
    %add3A_24 = arith.constant 512 : i32
    %add3A_25 = arith.addi %mul3A_23, %add3A_24 : i32
    "tpu.region"() ({
      %run_scoped3A = tpu.sem_alloc : memref<!tpu.dma_semaphore, #tpu.memory_space<semaphore_mem>>
      %dma_start3A = arith.constant 0 : i32
      %dma_start3A_40 = tpu.memref_slice %arg10[%add3A_25, %dma_start3A] : memref<10240x128xf32, #tpu.memory_space<vmem_shared>> -> memref<128x128xf32, #tpu.memory_space<vmem_shared>>
      %dma_start3A_41 = arith.constant 0 : i32
      %dma_start3A_42 = tpu.memref_slice %arg10[%add3A_25, %dma_start3A_41] : memref<10240x128xf32, #tpu.memory_space<vmem_shared>> -> memref<128x128xf32, #tpu.memory_space<vmem_shared>>
      tpu.enqueue_dma source(%arg9 : memref<128x128xf32, #tpu.memory_space<vmem>>) target(%dma_start3A_42 : memref<128x128xf32, #tpu.memory_space<vmem_shared>>) target_semaphore(%run_scoped3A : memref<!tpu.dma_semaphore, #tpu.memory_space<semaphore_mem>>)
      %dma_wait3A = arith.constant 0 : i32
      %dma_wait3A_43 = tpu.memref_slice %arg10[%add3A_25, %dma_wait3A] : memref<10240x128xf32, #tpu.memory_space<vmem_shared>> -> memref<128x128xf32, #tpu.memory_space<vmem_shared>>
      %dma_wait3A_44 = arith.constant 0 : i32
      %dma_wait3A_45 = tpu.memref_slice %arg10[%add3A_25, %dma_wait3A_44] : memref<10240x128xf32, #tpu.memory_space<vmem_shared>> -> memref<128x128xf32, #tpu.memory_space<vmem_shared>>
      tpu.wait_dma2 semaphore(%run_scoped3A : memref<!tpu.dma_semaphore, #tpu.memory_space<semaphore_mem>>) src(%arg9 : memref<128x128xf32, #tpu.memory_space<vmem>>) dst(%dma_wait3A_45 : memref<128x128xf32, #tpu.memory_space<vmem_shared>>)
      tpu.yield
    }) : () -> ()
    %barrier3A = arith.constant 0 : index
    tpu.barrier barrier_id(%barrier3A)
    %mul3A_26 = arith.constant 10000 : i32
    %mul3A_27 = arith.muli %add3A, %mul3A_26 : i32
    %broadcast_in_dim3A_28 = arith.constant 1.000000e+00 : f32
    %broadcast_in_dim3A_29 = vector.broadcast %broadcast_in_dim3A_28 : f32 to vector<16xf32>
    %scan3A_30 = arith.constant 0 : i32
    %scan3A_31 = arith.constant 125 : i32
    %scan3A_32 = arith.addi %scan3A_30, %scan3A_31 : i32
    %scan3A_33 = arith.constant 1 : i32
    scf.for %scan3A_40 = %scan3A_30 to %scan3A_32 step %scan3A_33  : i32 {
      %mul3A_41 = arith.constant 1 : i32
      %mul3A_42 = arith.muli %scan3A_40, %mul3A_41 : i32
      %add3A_43 = arith.constant 0 : i32
      %add3A_44 = arith.addi %add3A_43, %mul3A_42 : i32
      %mul3A_45 = arith.constant 80 : i32
      %mul3A_46 = arith.muli %add3A_44, %mul3A_45 : i32
      %add3A_47 = arith.addi %mul3A_27, %mul3A_46 : i32
      "tpu.region"() ({
        %run_scoped3A = tpu.sem_alloc : memref<!tpu.dma_semaphore, #tpu.memory_space<semaphore_mem>>
        %dma_start3A_52 = tpu.memref_slice %arg3[%add3A_47] : memref<320000xi32, #tpu.memory_space<hbm>> -> memref<80xi32, #tpu.memory_space<hbm>>
        %dma_start3A_53 = tpu.memref_slice %arg3[%add3A_47] : memref<320000xi32, #tpu.memory_space<hbm>> -> memref<80xi32, #tpu.memory_space<hbm>>
        tpu.enqueue_dma source(%dma_start3A_53 : memref<80xi32, #tpu.memory_space<hbm>>) target(%arg6 : memref<80xi32, #tpu.memory_space<vmem>>) target_semaphore(%run_scoped3A : memref<!tpu.dma_semaphore, #tpu.memory_space<semaphore_mem>>)
        %dma_wait3A_54 = tpu.memref_slice %arg3[%add3A_47] : memref<320000xi32, #tpu.memory_space<hbm>> -> memref<80xi32, #tpu.memory_space<hbm>>
        %dma_wait3A_55 = tpu.memref_slice %arg3[%add3A_47] : memref<320000xi32, #tpu.memory_space<hbm>> -> memref<80xi32, #tpu.memory_space<hbm>>
        tpu.wait_dma2 semaphore(%run_scoped3A : memref<!tpu.dma_semaphore, #tpu.memory_space<semaphore_mem>>) src(%dma_wait3A_55 : memref<80xi32, #tpu.memory_space<hbm>>) dst(%arg6 : memref<80xi32, #tpu.memory_space<vmem>>)
        tpu.yield
      }) : () -> ()
      "tpu.region"() ({
        %run_scoped3A = tpu.sem_alloc : memref<!tpu.dma_semaphore, #tpu.memory_space<semaphore_mem>>
        %dma_start3A_52 = tpu.memref_slice %arg4[%add3A_47] : memref<320000xi32, #tpu.memory_space<hbm>> -> memref<80xi32, #tpu.memory_space<hbm>>
        %dma_start3A_53 = tpu.memref_slice %arg4[%add3A_47] : memref<320000xi32, #tpu.memory_space<hbm>> -> memref<80xi32, #tpu.memory_space<hbm>>
        tpu.enqueue_dma source(%dma_start3A_53 : memref<80xi32, #tpu.memory_space<hbm>>) target(%arg7 : memref<80xi32, #tpu.memory_space<vmem>>) target_semaphore(%run_scoped3A : memref<!tpu.dma_semaphore, #tpu.memory_space<semaphore_mem>>)
        %dma_wait3A_54 = tpu.memref_slice %arg4[%add3A_47] : memref<320000xi32, #tpu.memory_space<hbm>> -> memref<80xi32, #tpu.memory_space<hbm>>
        %dma_wait3A_55 = tpu.memref_slice %arg4[%add3A_47] : memref<320000xi32, #tpu.memory_space<hbm>> -> memref<80xi32, #tpu.memory_space<hbm>>
        tpu.wait_dma2 semaphore(%run_scoped3A : memref<!tpu.dma_semaphore, #tpu.memory_space<semaphore_mem>>) src(%dma_wait3A_55 : memref<80xi32, #tpu.memory_space<hbm>>) dst(%arg7 : memref<80xi32, #tpu.memory_space<vmem>>)
        tpu.yield
      }) : () -> ()
      %dma_start3A = arith.constant 0 : i32
      %dma_start3A_48 = arith.constant 0 : i32
      %dma_start3A_49 = tpu.memref_slice %arg2[%dma_start3A, %dma_start3A_48] : memref<10000x128xf32, #tpu.memory_space<hbm>> -> memref<10000x128xf32, #tpu.memory_space<hbm>>
      tpu.enqueue_indirect_dma source(%dma_start3A_49 : memref<10000x128xf32, #tpu.memory_space<hbm>>) target(%arg8 : memref<80x128xf32, #tpu.memory_space<vmem>>) offsets(%arg6 : memref<80xi32, #tpu.memory_space<vmem>>) semaphore(%arg11 : memref<!tpu.dma_semaphore, #tpu.memory_space<semaphore_mem>>)
      %dma_wait3A = arith.constant 0 : i32
      %dma_wait3A_50 = arith.constant 0 : i32
      %dma_wait3A_51 = tpu.memref_slice %arg2[%dma_wait3A, %dma_wait3A_50] : memref<10000x128xf32, #tpu.memory_space<hbm>> -> memref<10000x128xf32, #tpu.memory_space<hbm>>
      tpu.wait_indirect_dma semaphore(%arg11 : memref<!tpu.dma_semaphore, #tpu.memory_space<semaphore_mem>>) src(%dma_wait3A_51 : memref<10000x128xf32, #tpu.memory_space<hbm>>) dst(%arg8 : memref<80x128xf32, #tpu.memory_space<vmem>>)
      "tpu.region"() ({
        %run_scoped3A = tpu.sem_alloc : memref<!tpu.dma_semaphore, #tpu.memory_space<semaphore_mem>>
        %dma_start3A_52 = arith.constant 0 : i32
        %dma_start3A_53 = arith.constant 0 : i32
        %dma_start3A_54 = tpu.memref_slice %arg10[%dma_start3A_52, %dma_start3A_53] : memref<10240x128xf32, #tpu.memory_space<vmem_shared>> -> memref<10240x128xf32, #tpu.memory_space<vmem_shared>>
        tpu.enqueue_indirect_dma source(%arg8 : memref<80x128xf32, #tpu.memory_space<vmem>>) target(%dma_start3A_54 : memref<10240x128xf32, #tpu.memory_space<vmem_shared>>) offsets(%arg7 : memref<80xi32, #tpu.memory_space<vmem>>) semaphore(%run_scoped3A : memref<!tpu.dma_semaphore, #tpu.memory_space<semaphore_mem>>) {add = true}
        %dma_wait3A_55 = arith.constant 0 : i32
        %dma_wait3A_56 = arith.constant 0 : i32
        %dma_wait3A_57 = tpu.memref_slice %arg10[%dma_wait3A_55, %dma_wait3A_56] : memref<10240x128xf32, #tpu.memory_space<vmem_shared>> -> memref<10240x128xf32, #tpu.memory_space<vmem_shared>>
        tpu.wait_indirect_dma semaphore(%run_scoped3A : memref<!tpu.dma_semaphore, #tpu.memory_space<semaphore_mem>>) src(%arg8 : memref<80x128xf32, #tpu.memory_space<vmem>>) dst(%dma_wait3A_57 : memref<10240x128xf32, #tpu.memory_space<vmem_shared>>)
        tpu.yield
      }) : () -> ()
    }
    %scan3A_34 = arith.constant 125 : i32
    %barrier3A_35 = arith.constant 0 : index
    tpu.barrier barrier_id(%barrier3A_35)
    %mul3A_36 = arith.constant 640 : i32
    %mul3A_37 = arith.muli %arg1, %mul3A_36 : i32
    %mul3A_38 = arith.constant 640 : i32
    %mul3A_39 = arith.muli %arg1, %mul3A_38 : i32
    "tpu.region"() ({
      %run_scoped3A = tpu.sem_alloc : memref<!tpu.dma_semaphore, #tpu.memory_space<semaphore_mem>>
      %dma_start3A = arith.constant 0 : i32
      %dma_start3A_40 = tpu.memref_slice %arg5[%arg0, %mul3A_39, %dma_start3A] : memref<2x10240x128xf32, #tpu.memory_space<hbm>> -> memref<1x640x128xf32, #tpu.memory_space<hbm>>
      %dma_start3A_41 = tpu.memref_squeeze %dma_start3A_40 : memref<1x640x128xf32, #tpu.memory_space<hbm>> -> memref<640x128xf32, #tpu.memory_space<hbm>>
      %dma_start3A_42 = arith.constant 0 : i32
      %dma_start3A_43 = tpu.memref_slice %arg10[%mul3A_37, %dma_start3A_42] : memref<10240x128xf32, #tpu.memory_space<vmem_shared>> -> memref<640x128xf32, #tpu.memory_space<vmem_shared>>
      tpu.enqueue_dma source(%dma_start3A_43 : memref<640x128xf32, #tpu.memory_space<vmem_shared>>) target(%dma_start3A_41 : memref<640x128xf32, #tpu.memory_space<hbm>>) target_semaphore(%run_scoped3A : memref<!tpu.dma_semaphore, #tpu.memory_space<semaphore_mem>>)
      %dma_wait3A = arith.constant 0 : i32
      %dma_wait3A_44 = tpu.memref_slice %arg5[%arg0, %mul3A_39, %dma_wait3A] : memref<2x10240x128xf32, #tpu.memory_space<hbm>> -> memref<1x640x128xf32, #tpu.memory_space<hbm>>
      %dma_wait3A_45 = tpu.memref_squeeze %dma_wait3A_44 : memref<1x640x128xf32, #tpu.memory_space<hbm>> -> memref<640x128xf32, #tpu.memory_space<hbm>>
      %dma_wait3A_46 = arith.constant 0 : i32
      %dma_wait3A_47 = tpu.memref_slice %arg10[%mul3A_37, %dma_wait3A_46] : memref<10240x128xf32, #tpu.memory_space<vmem_shared>> -> memref<640x128xf32, #tpu.memory_space<vmem_shared>>
      tpu.wait_dma2 semaphore(%run_scoped3A : memref<!tpu.dma_semaphore, #tpu.memory_space<semaphore_mem>>) src(%dma_wait3A_47 : memref<640x128xf32, #tpu.memory_space<vmem_shared>>) dst(%dma_wait3A_45 : memref<640x128xf32, #tpu.memory_space<hbm>>)
      tpu.yield
    }) : () -> ()
    return
  }
}

#map = affine_map<(d0, d1) -> (0, 0)>
#map1 = affine_map<(d0, d1) -> (0)>
#map2 = affine_map<(d0, d1) -> (0, 0, 0)>
module attributes {stable_mosaic.version = 14 : i64} {
  func.func @body(%arg0: i32, %arg1: i32, %arg2: memref<10000x128xf32, #tpu.memory_space<hbm>>, %arg3: memref<320000xi32, #tpu.memory_space<hbm>>, %arg4: memref<320000xi32, #tpu.memory_space<hbm>>, %arg5: memref<2x10240x128xf32, #tpu.memory_space<hbm>>, %arg6: memref<32x1x10000xf32, #tpu.memory_space<hbm>>, %arg7: memref<80xi32, #tpu.memory_space<vmem>>, %arg8: memref<80xi32, #tpu.memory_space<vmem>>, %arg9: memref<80x128xf32, #tpu.memory_space<vmem>>, %arg10: memref<128x128xf32, #tpu.memory_space<vmem>>, %arg11: memref<10240x128xf32, #tpu.memory_space<vmem_shared>>, %arg12: memref<!tpu.dma_semaphore, #tpu.memory_space<semaphore_mem>>, %arg13: memref<10000xf32, #tpu.memory_space<vmem>>) attributes {dimension_semantics = [#tpu.dimension_semantics<core_parallel>, #tpu.dimension_semantics<subcore_parallel>], iteration_bounds = array<i64: 2, 16>, scalar_prefetch = 0 : i64, scratch_operands = 7 : i64, tpu.core_type = #tpu.core_type<sc_vector_subcore>, window_params = [{transform_indices = #map}, {transform_indices = #map1}, {transform_indices = #map1}, {transform_indices = #map2}, {transform_indices = #map2}]} {
    %mul3A = arith.constant 16 : i32
    %mul3A_0 = arith.muli %arg0, %mul3A : i32
    %add3A = arith.addi %mul3A_0, %arg1 : i32
    %broadcast_in_dim3A = arith.constant 0.000000e+00 : f32
    %broadcast_in_dim3A_1 = vector.broadcast %broadcast_in_dim3A : f32 to vector<16xf32>
    %scan3A = arith.constant 0 : i32
    %scan3A_2 = arith.constant 128 : i32
    %scan3A_3 = arith.addi %scan3A, %scan3A_2 : i32
    %scan3A_4 = arith.constant 1 : i32
    scf.for %scan3A_45 = %scan3A to %scan3A_3 step %scan3A_4  : i32 {
      %mul3A_46 = arith.constant 1 : i32
      %mul3A_47 = arith.muli %scan3A_45, %mul3A_46 : i32
      %add3A_48 = arith.constant 0 : i32
      %add3A_49 = arith.addi %add3A_48, %mul3A_47 : i32
      %swap3A = arith.index_cast %add3A_49 : i32 to index
      %swap3A_50 = arith.constant 0 : index
      %swap3A_51 = tpu.vector_load %arg10[%swap3A, %swap3A_50] {strides = array<i32>} : memref<128x128xf32, #tpu.memory_space<vmem>>, vector<16xf32>,
      tpu.vector_store %arg10[%swap3A, %swap3A_50], %broadcast_in_dim3A_1 {strides = array<i32>} : memref<128x128xf32, #tpu.memory_space<vmem>>, vector<16xf32>,
      %swap3A_52 = arith.index_cast %add3A_49 : i32 to index
      %swap3A_53 = arith.constant 16 : index
      %swap3A_54 = tpu.vector_load %arg10[%swap3A_52, %swap3A_53] {strides = array<i32>} : memref<128x128xf32, #tpu.memory_space<vmem>>, vector<16xf32>,
      tpu.vector_store %arg10[%swap3A_52, %swap3A_53], %broadcast_in_dim3A_1 {strides = array<i32>} : memref<128x128xf32, #tpu.memory_space<vmem>>, vector<16xf32>,
      %swap3A_55 = arith.index_cast %add3A_49 : i32 to index
      %swap3A_56 = arith.constant 32 : index
      %swap3A_57 = tpu.vector_load %arg10[%swap3A_55, %swap3A_56] {strides = array<i32>} : memref<128x128xf32, #tpu.memory_space<vmem>>, vector<16xf32>,
      tpu.vector_store %arg10[%swap3A_55, %swap3A_56], %broadcast_in_dim3A_1 {strides = array<i32>} : memref<128x128xf32, #tpu.memory_space<vmem>>, vector<16xf32>,
      %swap3A_58 = arith.index_cast %add3A_49 : i32 to index
      %swap3A_59 = arith.constant 48 : index
      %swap3A_60 = tpu.vector_load %arg10[%swap3A_58, %swap3A_59] {strides = array<i32>} : memref<128x128xf32, #tpu.memory_space<vmem>>, vector<16xf32>,
      tpu.vector_store %arg10[%swap3A_58, %swap3A_59], %broadcast_in_dim3A_1 {strides = array<i32>} : memref<128x128xf32, #tpu.memory_space<vmem>>, vector<16xf32>,
      %swap3A_61 = arith.index_cast %add3A_49 : i32 to index
      %swap3A_62 = arith.constant 64 : index
      %swap3A_63 = tpu.vector_load %arg10[%swap3A_61, %swap3A_62] {strides = array<i32>} : memref<128x128xf32, #tpu.memory_space<vmem>>, vector<16xf32>,
      tpu.vector_store %arg10[%swap3A_61, %swap3A_62], %broadcast_in_dim3A_1 {strides = array<i32>} : memref<128x128xf32, #tpu.memory_space<vmem>>, vector<16xf32>,
      %swap3A_64 = arith.index_cast %add3A_49 : i32 to index
      %swap3A_65 = arith.constant 80 : index
      %swap3A_66 = tpu.vector_load %arg10[%swap3A_64, %swap3A_65] {strides = array<i32>} : memref<128x128xf32, #tpu.memory_space<vmem>>, vector<16xf32>,
      tpu.vector_store %arg10[%swap3A_64, %swap3A_65], %broadcast_in_dim3A_1 {strides = array<i32>} : memref<128x128xf32, #tpu.memory_space<vmem>>, vector<16xf32>,
      %swap3A_67 = arith.index_cast %add3A_49 : i32 to index
      %swap3A_68 = arith.constant 96 : index
      %swap3A_69 = tpu.vector_load %arg10[%swap3A_67, %swap3A_68] {strides = array<i32>} : memref<128x128xf32, #tpu.memory_space<vmem>>, vector<16xf32>,
      tpu.vector_store %arg10[%swap3A_67, %swap3A_68], %broadcast_in_dim3A_1 {strides = array<i32>} : memref<128x128xf32, #tpu.memory_space<vmem>>, vector<16xf32>,
      %swap3A_70 = arith.index_cast %add3A_49 : i32 to index
      %swap3A_71 = arith.constant 112 : index
      %swap3A_72 = tpu.vector_load %arg10[%swap3A_70, %swap3A_71] {strides = array<i32>} : memref<128x128xf32, #tpu.memory_space<vmem>>, vector<16xf32>,
      tpu.vector_store %arg10[%swap3A_70, %swap3A_71], %broadcast_in_dim3A_1 {strides = array<i32>} : memref<128x128xf32, #tpu.memory_space<vmem>>, vector<16xf32>,
    }
    %scan3A_5 = arith.constant 128 : i32
    %mul3A_6 = arith.constant 640 : i32
    %mul3A_7 = arith.muli %arg1, %mul3A_6 : i32
    %add3A_8 = arith.constant 0 : i32
    %add3A_9 = arith.addi %mul3A_7, %add3A_8 : i32
    "tpu.region"() ({
      %run_scoped3A_45 = tpu.sem_alloc : memref<!tpu.dma_semaphore, #tpu.memory_space<semaphore_mem>>
      %dma_start3A = arith.constant 0 : i32
      %dma_start3A_46 = tpu.memref_slice %arg11[%add3A_9, %dma_start3A] : memref<10240x128xf32, #tpu.memory_space<vmem_shared>> -> memref<128x128xf32, #tpu.memory_space<vmem_shared>>
      %dma_start3A_47 = arith.constant 0 : i32
      %dma_start3A_48 = tpu.memref_slice %arg11[%add3A_9, %dma_start3A_47] : memref<10240x128xf32, #tpu.memory_space<vmem_shared>> -> memref<128x128xf32, #tpu.memory_space<vmem_shared>>
      tpu.enqueue_dma source(%arg10 : memref<128x128xf32, #tpu.memory_space<vmem>>) target(%dma_start3A_48 : memref<128x128xf32, #tpu.memory_space<vmem_shared>>) target_semaphore(%run_scoped3A_45 : memref<!tpu.dma_semaphore, #tpu.memory_space<semaphore_mem>>)
      %dma_wait3A = arith.constant 0 : i32
      %dma_wait3A_49 = tpu.memref_slice %arg11[%add3A_9, %dma_wait3A] : memref<10240x128xf32, #tpu.memory_space<vmem_shared>> -> memref<128x128xf32, #tpu.memory_space<vmem_shared>>
      %dma_wait3A_50 = arith.constant 0 : i32
      %dma_wait3A_51 = tpu.memref_slice %arg11[%add3A_9, %dma_wait3A_50] : memref<10240x128xf32, #tpu.memory_space<vmem_shared>> -> memref<128x128xf32, #tpu.memory_space<vmem_shared>>
      tpu.wait_dma2 semaphore(%run_scoped3A_45 : memref<!tpu.dma_semaphore, #tpu.memory_space<semaphore_mem>>) src(%arg10 : memref<128x128xf32, #tpu.memory_space<vmem>>) dst(%dma_wait3A_51 : memref<128x128xf32, #tpu.memory_space<vmem_shared>>)
      tpu.yield
    }) : () -> ()
    %mul3A_10 = arith.constant 640 : i32
    %mul3A_11 = arith.muli %arg1, %mul3A_10 : i32
    %add3A_12 = arith.constant 128 : i32
    %add3A_13 = arith.addi %mul3A_11, %add3A_12 : i32
    "tpu.region"() ({
      %run_scoped3A_45 = tpu.sem_alloc : memref<!tpu.dma_semaphore, #tpu.memory_space<semaphore_mem>>
      %dma_start3A = arith.constant 0 : i32
      %dma_start3A_46 = tpu.memref_slice %arg11[%add3A_13, %dma_start3A] : memref<10240x128xf32, #tpu.memory_space<vmem_shared>> -> memref<128x128xf32, #tpu.memory_space<vmem_shared>>
      %dma_start3A_47 = arith.constant 0 : i32
      %dma_start3A_48 = tpu.memref_slice %arg11[%add3A_13, %dma_start3A_47] : memref<10240x128xf32, #tpu.memory_space<vmem_shared>> -> memref<128x128xf32, #tpu.memory_space<vmem_shared>>
      tpu.enqueue_dma source(%arg10 : memref<128x128xf32, #tpu.memory_space<vmem>>) target(%dma_start3A_48 : memref<128x128xf32, #tpu.memory_space<vmem_shared>>) target_semaphore(%run_scoped3A_45 : memref<!tpu.dma_semaphore, #tpu.memory_space<semaphore_mem>>)
      %dma_wait3A = arith.constant 0 : i32
      %dma_wait3A_49 = tpu.memref_slice %arg11[%add3A_13, %dma_wait3A] : memref<10240x128xf32, #tpu.memory_space<vmem_shared>> -> memref<128x128xf32, #tpu.memory_space<vmem_shared>>
      %dma_wait3A_50 = arith.constant 0 : i32
      %dma_wait3A_51 = tpu.memref_slice %arg11[%add3A_13, %dma_wait3A_50] : memref<10240x128xf32, #tpu.memory_space<vmem_shared>> -> memref<128x128xf32, #tpu.memory_space<vmem_shared>>
      tpu.wait_dma2 semaphore(%run_scoped3A_45 : memref<!tpu.dma_semaphore, #tpu.memory_space<semaphore_mem>>) src(%arg10 : memref<128x128xf32, #tpu.memory_space<vmem>>) dst(%dma_wait3A_51 : memref<128x128xf32, #tpu.memory_space<vmem_shared>>)
      tpu.yield
    }) : () -> ()
    %mul3A_14 = arith.constant 640 : i32
    %mul3A_15 = arith.muli %arg1, %mul3A_14 : i32
    %add3A_16 = arith.constant 256 : i32
    %add3A_17 = arith.addi %mul3A_15, %add3A_16 : i32
    "tpu.region"() ({
      %run_scoped3A_45 = tpu.sem_alloc : memref<!tpu.dma_semaphore, #tpu.memory_space<semaphore_mem>>
      %dma_start3A = arith.constant 0 : i32
      %dma_start3A_46 = tpu.memref_slice %arg11[%add3A_17, %dma_start3A] : memref<10240x128xf32, #tpu.memory_space<vmem_shared>> -> memref<128x128xf32, #tpu.memory_space<vmem_shared>>
      %dma_start3A_47 = arith.constant 0 : i32
      %dma_start3A_48 = tpu.memref_slice %arg11[%add3A_17, %dma_start3A_47] : memref<10240x128xf32, #tpu.memory_space<vmem_shared>> -> memref<128x128xf32, #tpu.memory_space<vmem_shared>>
      tpu.enqueue_dma source(%arg10 : memref<128x128xf32, #tpu.memory_space<vmem>>) target(%dma_start3A_48 : memref<128x128xf32, #tpu.memory_space<vmem_shared>>) target_semaphore(%run_scoped3A_45 : memref<!tpu.dma_semaphore, #tpu.memory_space<semaphore_mem>>)
      %dma_wait3A = arith.constant 0 : i32
      %dma_wait3A_49 = tpu.memref_slice %arg11[%add3A_17, %dma_wait3A] : memref<10240x128xf32, #tpu.memory_space<vmem_shared>> -> memref<128x128xf32, #tpu.memory_space<vmem_shared>>
      %dma_wait3A_50 = arith.constant 0 : i32
      %dma_wait3A_51 = tpu.memref_slice %arg11[%add3A_17, %dma_wait3A_50] : memref<10240x128xf32, #tpu.memory_space<vmem_shared>> -> memref<128x128xf32, #tpu.memory_space<vmem_shared>>
      tpu.wait_dma2 semaphore(%run_scoped3A_45 : memref<!tpu.dma_semaphore, #tpu.memory_space<semaphore_mem>>) src(%arg10 : memref<128x128xf32, #tpu.memory_space<vmem>>) dst(%dma_wait3A_51 : memref<128x128xf32, #tpu.memory_space<vmem_shared>>)
      tpu.yield
    }) : () -> ()
    %mul3A_18 = arith.constant 640 : i32
    %mul3A_19 = arith.muli %arg1, %mul3A_18 : i32
    %add3A_20 = arith.constant 384 : i32
    %add3A_21 = arith.addi %mul3A_19, %add3A_20 : i32
    "tpu.region"() ({
      %run_scoped3A_45 = tpu.sem_alloc : memref<!tpu.dma_semaphore, #tpu.memory_space<semaphore_mem>>
      %dma_start3A = arith.constant 0 : i32
      %dma_start3A_46 = tpu.memref_slice %arg11[%add3A_21, %dma_start3A] : memref<10240x128xf32, #tpu.memory_space<vmem_shared>> -> memref<128x128xf32, #tpu.memory_space<vmem_shared>>
      %dma_start3A_47 = arith.constant 0 : i32
      %dma_start3A_48 = tpu.memref_slice %arg11[%add3A_21, %dma_start3A_47] : memref<10240x128xf32, #tpu.memory_space<vmem_shared>> -> memref<128x128xf32, #tpu.memory_space<vmem_shared>>
      tpu.enqueue_dma source(%arg10 : memref<128x128xf32, #tpu.memory_space<vmem>>) target(%dma_start3A_48 : memref<128x128xf32, #tpu.memory_space<vmem_shared>>) target_semaphore(%run_scoped3A_45 : memref<!tpu.dma_semaphore, #tpu.memory_space<semaphore_mem>>)
      %dma_wait3A = arith.constant 0 : i32
      %dma_wait3A_49 = tpu.memref_slice %arg11[%add3A_21, %dma_wait3A] : memref<10240x128xf32, #tpu.memory_space<vmem_shared>> -> memref<128x128xf32, #tpu.memory_space<vmem_shared>>
      %dma_wait3A_50 = arith.constant 0 : i32
      %dma_wait3A_51 = tpu.memref_slice %arg11[%add3A_21, %dma_wait3A_50] : memref<10240x128xf32, #tpu.memory_space<vmem_shared>> -> memref<128x128xf32, #tpu.memory_space<vmem_shared>>
      tpu.wait_dma2 semaphore(%run_scoped3A_45 : memref<!tpu.dma_semaphore, #tpu.memory_space<semaphore_mem>>) src(%arg10 : memref<128x128xf32, #tpu.memory_space<vmem>>) dst(%dma_wait3A_51 : memref<128x128xf32, #tpu.memory_space<vmem_shared>>)
      tpu.yield
    }) : () -> ()
    %mul3A_22 = arith.constant 640 : i32
    %mul3A_23 = arith.muli %arg1, %mul3A_22 : i32
    %add3A_24 = arith.constant 512 : i32
    %add3A_25 = arith.addi %mul3A_23, %add3A_24 : i32
    "tpu.region"() ({
      %run_scoped3A_45 = tpu.sem_alloc : memref<!tpu.dma_semaphore, #tpu.memory_space<semaphore_mem>>
      %dma_start3A = arith.constant 0 : i32
      %dma_start3A_46 = tpu.memref_slice %arg11[%add3A_25, %dma_start3A] : memref<10240x128xf32, #tpu.memory_space<vmem_shared>> -> memref<128x128xf32, #tpu.memory_space<vmem_shared>>
      %dma_start3A_47 = arith.constant 0 : i32
      %dma_start3A_48 = tpu.memref_slice %arg11[%add3A_25, %dma_start3A_47] : memref<10240x128xf32, #tpu.memory_space<vmem_shared>> -> memref<128x128xf32, #tpu.memory_space<vmem_shared>>
      tpu.enqueue_dma source(%arg10 : memref<128x128xf32, #tpu.memory_space<vmem>>) target(%dma_start3A_48 : memref<128x128xf32, #tpu.memory_space<vmem_shared>>) target_semaphore(%run_scoped3A_45 : memref<!tpu.dma_semaphore, #tpu.memory_space<semaphore_mem>>)
      %dma_wait3A = arith.constant 0 : i32
      %dma_wait3A_49 = tpu.memref_slice %arg11[%add3A_25, %dma_wait3A] : memref<10240x128xf32, #tpu.memory_space<vmem_shared>> -> memref<128x128xf32, #tpu.memory_space<vmem_shared>>
      %dma_wait3A_50 = arith.constant 0 : i32
      %dma_wait3A_51 = tpu.memref_slice %arg11[%add3A_25, %dma_wait3A_50] : memref<10240x128xf32, #tpu.memory_space<vmem_shared>> -> memref<128x128xf32, #tpu.memory_space<vmem_shared>>
      tpu.wait_dma2 semaphore(%run_scoped3A_45 : memref<!tpu.dma_semaphore, #tpu.memory_space<semaphore_mem>>) src(%arg10 : memref<128x128xf32, #tpu.memory_space<vmem>>) dst(%dma_wait3A_51 : memref<128x128xf32, #tpu.memory_space<vmem_shared>>)
      tpu.yield
    }) : () -> ()
    %scan3A_26 = arith.constant 0 : i32
    %scan3A_27 = arith.constant 625 : i32
    %scan3A_28 = arith.addi %scan3A_26, %scan3A_27 : i32
    %scan3A_29 = arith.constant 1 : i32
    scf.for %scan3A_45 = %scan3A_26 to %scan3A_28 step %scan3A_29  : i32 {
      %mul3A_46 = arith.constant 1 : i32
      %mul3A_47 = arith.muli %scan3A_45, %mul3A_46 : i32
      %add3A_48 = arith.constant 0 : i32
      %add3A_49 = arith.addi %add3A_48, %mul3A_47 : i32
      %mul3A_50 = arith.constant 16 : i32
      %mul3A_51 = arith.muli %add3A_49, %mul3A_50 : i32
      %swap3A = arith.index_cast %mul3A_51 : i32 to index
      %swap3A_52 = tpu.vector_load %arg13[%swap3A] {strides = array<i32>} : memref<10000xf32, #tpu.memory_space<vmem>>, vector<16xf32>,
      tpu.vector_store %arg13[%swap3A], %broadcast_in_dim3A_1 {strides = array<i32>} : memref<10000xf32, #tpu.memory_space<vmem>>, vector<16xf32>,
    }
    %scan3A_30 = arith.constant 625 : i32
    %barrier3A = arith.constant 0 : index
    tpu.barrier barrier_id(%barrier3A)
    %mul3A_31 = arith.constant 10000 : i32
    %mul3A_32 = arith.muli %add3A, %mul3A_31 : i32
    %broadcast_in_dim3A_33 = arith.constant 1.000000e+00 : f32
    %broadcast_in_dim3A_34 = vector.broadcast %broadcast_in_dim3A_33 : f32 to vector<16xf32>
    %scan3A_35 = arith.constant 0 : i32
    %scan3A_36 = arith.constant 125 : i32
    %scan3A_37 = arith.addi %scan3A_35, %scan3A_36 : i32
    %scan3A_38 = arith.constant 1 : i32
    scf.for %scan3A_45 = %scan3A_35 to %scan3A_37 step %scan3A_38  : i32 {
      %mul3A_46 = arith.constant 1 : i32
      %mul3A_47 = arith.muli %scan3A_45, %mul3A_46 : i32
      %add3A_48 = arith.constant 0 : i32
      %add3A_49 = arith.addi %add3A_48, %mul3A_47 : i32
      %mul3A_50 = arith.constant 80 : i32
      %mul3A_51 = arith.muli %add3A_49, %mul3A_50 : i32
      %add3A_52 = arith.addi %mul3A_32, %mul3A_51 : i32
      "tpu.region"() ({
        %run_scoped3A_66 = tpu.sem_alloc : memref<!tpu.dma_semaphore, #tpu.memory_space<semaphore_mem>>
        %dma_start3A_67 = tpu.memref_slice %arg3[%add3A_52] : memref<320000xi32, #tpu.memory_space<hbm>> -> memref<80xi32, #tpu.memory_space<hbm>>
        %dma_start3A_68 = tpu.memref_slice %arg3[%add3A_52] : memref<320000xi32, #tpu.memory_space<hbm>> -> memref<80xi32, #tpu.memory_space<hbm>>
        tpu.enqueue_dma source(%dma_start3A_68 : memref<80xi32, #tpu.memory_space<hbm>>) target(%arg7 : memref<80xi32, #tpu.memory_space<vmem>>) target_semaphore(%run_scoped3A_66 : memref<!tpu.dma_semaphore, #tpu.memory_space<semaphore_mem>>)
        %dma_wait3A_69 = tpu.memref_slice %arg3[%add3A_52] : memref<320000xi32, #tpu.memory_space<hbm>> -> memref<80xi32, #tpu.memory_space<hbm>>
        %dma_wait3A_70 = tpu.memref_slice %arg3[%add3A_52] : memref<320000xi32, #tpu.memory_space<hbm>> -> memref<80xi32, #tpu.memory_space<hbm>>
        tpu.wait_dma2 semaphore(%run_scoped3A_66 : memref<!tpu.dma_semaphore, #tpu.memory_space<semaphore_mem>>) src(%dma_wait3A_70 : memref<80xi32, #tpu.memory_space<hbm>>) dst(%arg7 : memref<80xi32, #tpu.memory_space<vmem>>)
        tpu.yield
      }) : () -> ()
      "tpu.region"() ({
        %run_scoped3A_66 = tpu.sem_alloc : memref<!tpu.dma_semaphore, #tpu.memory_space<semaphore_mem>>
        %dma_start3A_67 = tpu.memref_slice %arg4[%add3A_52] : memref<320000xi32, #tpu.memory_space<hbm>> -> memref<80xi32, #tpu.memory_space<hbm>>
        %dma_start3A_68 = tpu.memref_slice %arg4[%add3A_52] : memref<320000xi32, #tpu.memory_space<hbm>> -> memref<80xi32, #tpu.memory_space<hbm>>
        tpu.enqueue_dma source(%dma_start3A_68 : memref<80xi32, #tpu.memory_space<hbm>>) target(%arg8 : memref<80xi32, #tpu.memory_space<vmem>>) target_semaphore(%run_scoped3A_66 : memref<!tpu.dma_semaphore, #tpu.memory_space<semaphore_mem>>)
        %dma_wait3A_69 = tpu.memref_slice %arg4[%add3A_52] : memref<320000xi32, #tpu.memory_space<hbm>> -> memref<80xi32, #tpu.memory_space<hbm>>
        %dma_wait3A_70 = tpu.memref_slice %arg4[%add3A_52] : memref<320000xi32, #tpu.memory_space<hbm>> -> memref<80xi32, #tpu.memory_space<hbm>>
        tpu.wait_dma2 semaphore(%run_scoped3A_66 : memref<!tpu.dma_semaphore, #tpu.memory_space<semaphore_mem>>) src(%dma_wait3A_70 : memref<80xi32, #tpu.memory_space<hbm>>) dst(%arg8 : memref<80xi32, #tpu.memory_space<vmem>>)
        tpu.yield
      }) : () -> ()
      %dma_start3A = arith.constant 0 : i32
      %dma_start3A_53 = arith.constant 0 : i32
      %dma_start3A_54 = tpu.memref_slice %arg2[%dma_start3A, %dma_start3A_53] : memref<10000x128xf32, #tpu.memory_space<hbm>> -> memref<10000x128xf32, #tpu.memory_space<hbm>>
      tpu.enqueue_indirect_dma source(%dma_start3A_54 : memref<10000x128xf32, #tpu.memory_space<hbm>>) target(%arg9 : memref<80x128xf32, #tpu.memory_space<vmem>>) offsets(%arg7 : memref<80xi32, #tpu.memory_space<vmem>>) semaphore(%arg12 : memref<!tpu.dma_semaphore, #tpu.memory_space<semaphore_mem>>)
      %dma_wait3A = arith.constant 0 : i32
      %dma_wait3A_55 = arith.constant 0 : i32
      %dma_wait3A_56 = tpu.memref_slice %arg2[%dma_wait3A, %dma_wait3A_55] : memref<10000x128xf32, #tpu.memory_space<hbm>> -> memref<10000x128xf32, #tpu.memory_space<hbm>>
      tpu.wait_indirect_dma semaphore(%arg12 : memref<!tpu.dma_semaphore, #tpu.memory_space<semaphore_mem>>) src(%dma_wait3A_56 : memref<10000x128xf32, #tpu.memory_space<hbm>>) dst(%arg9 : memref<80x128xf32, #tpu.memory_space<vmem>>)
      "tpu.region"() ({
        %run_scoped3A_66 = tpu.sem_alloc : memref<!tpu.dma_semaphore, #tpu.memory_space<semaphore_mem>>
        %dma_start3A_67 = arith.constant 0 : i32
        %dma_start3A_68 = arith.constant 0 : i32
        %dma_start3A_69 = tpu.memref_slice %arg11[%dma_start3A_67, %dma_start3A_68] : memref<10240x128xf32, #tpu.memory_space<vmem_shared>> -> memref<10240x128xf32, #tpu.memory_space<vmem_shared>>
        tpu.enqueue_indirect_dma source(%arg9 : memref<80x128xf32, #tpu.memory_space<vmem>>) target(%dma_start3A_69 : memref<10240x128xf32, #tpu.memory_space<vmem_shared>>) offsets(%arg8 : memref<80xi32, #tpu.memory_space<vmem>>) semaphore(%run_scoped3A_66 : memref<!tpu.dma_semaphore, #tpu.memory_space<semaphore_mem>>) {add = true}
        %dma_wait3A_70 = arith.constant 0 : i32
        %dma_wait3A_71 = arith.constant 0 : i32
        %dma_wait3A_72 = tpu.memref_slice %arg11[%dma_wait3A_70, %dma_wait3A_71] : memref<10240x128xf32, #tpu.memory_space<vmem_shared>> -> memref<10240x128xf32, #tpu.memory_space<vmem_shared>>
        tpu.wait_indirect_dma semaphore(%run_scoped3A_66 : memref<!tpu.dma_semaphore, #tpu.memory_space<semaphore_mem>>) src(%arg9 : memref<80x128xf32, #tpu.memory_space<vmem>>) dst(%dma_wait3A_72 : memref<10240x128xf32, #tpu.memory_space<vmem_shared>>)
        tpu.yield
      }) : () -> ()
      %get3A = arith.constant 0 : index
      %get3A_57 = tpu.vector_load %arg8[%get3A] {strides = array<i32>} : memref<80xi32, #tpu.memory_space<vmem>>, vector<16xi32>,
      tpu.vector_store_idx %arg13[%get3A_57], %broadcast_in_dim3A_34 {add = true} : memref<10000xf32, #tpu.memory_space<vmem>>[vector<16xi32>], vector<16xf32>,
      %get3A_58 = arith.constant 16 : index
      %get3A_59 = tpu.vector_load %arg8[%get3A_58] {strides = array<i32>} : memref<80xi32, #tpu.memory_space<vmem>>, vector<16xi32>,
      tpu.vector_store_idx %arg13[%get3A_59], %broadcast_in_dim3A_34 {add = true} : memref<10000xf32, #tpu.memory_space<vmem>>[vector<16xi32>], vector<16xf32>,
      %get3A_60 = arith.constant 32 : index
      %get3A_61 = tpu.vector_load %arg8[%get3A_60] {strides = array<i32>} : memref<80xi32, #tpu.memory_space<vmem>>, vector<16xi32>,
      tpu.vector_store_idx %arg13[%get3A_61], %broadcast_in_dim3A_34 {add = true} : memref<10000xf32, #tpu.memory_space<vmem>>[vector<16xi32>], vector<16xf32>,
      %get3A_62 = arith.constant 48 : index
      %get3A_63 = tpu.vector_load %arg8[%get3A_62] {strides = array<i32>} : memref<80xi32, #tpu.memory_space<vmem>>, vector<16xi32>,
      tpu.vector_store_idx %arg13[%get3A_63], %broadcast_in_dim3A_34 {add = true} : memref<10000xf32, #tpu.memory_space<vmem>>[vector<16xi32>], vector<16xf32>,
      %get3A_64 = arith.constant 64 : index
      %get3A_65 = tpu.vector_load %arg8[%get3A_64] {strides = array<i32>} : memref<80xi32, #tpu.memory_space<vmem>>, vector<16xi32>,
      tpu.vector_store_idx %arg13[%get3A_65], %broadcast_in_dim3A_34 {add = true} : memref<10000xf32, #tpu.memory_space<vmem>>[vector<16xi32>], vector<16xf32>,
    }
    %scan3A_39 = arith.constant 125 : i32
    %barrier3A_40 = arith.constant 0 : index
    tpu.barrier barrier_id(%barrier3A_40)
    %mul3A_41 = arith.constant 640 : i32
    %mul3A_42 = arith.muli %arg1, %mul3A_41 : i32
    %mul3A_43 = arith.constant 640 : i32
    %mul3A_44 = arith.muli %arg1, %mul3A_43 : i32
    "tpu.region"() ({
      %run_scoped3A_45 = tpu.sem_alloc : memref<!tpu.dma_semaphore, #tpu.memory_space<semaphore_mem>>
      %dma_start3A = arith.constant 0 : i32
      %dma_start3A_46 = tpu.memref_slice %arg5[%arg0, %mul3A_44, %dma_start3A] : memref<2x10240x128xf32, #tpu.memory_space<hbm>> -> memref<1x640x128xf32, #tpu.memory_space<hbm>>
      %dma_start3A_47 = tpu.memref_squeeze %dma_start3A_46 : memref<1x640x128xf32, #tpu.memory_space<hbm>> -> memref<640x128xf32, #tpu.memory_space<hbm>>
      %dma_start3A_48 = arith.constant 0 : i32
      %dma_start3A_49 = tpu.memref_slice %arg11[%mul3A_42, %dma_start3A_48] : memref<10240x128xf32, #tpu.memory_space<vmem_shared>> -> memref<640x128xf32, #tpu.memory_space<vmem_shared>>
      tpu.enqueue_dma source(%dma_start3A_49 : memref<640x128xf32, #tpu.memory_space<vmem_shared>>) target(%dma_start3A_47 : memref<640x128xf32, #tpu.memory_space<hbm>>) target_semaphore(%run_scoped3A_45 : memref<!tpu.dma_semaphore, #tpu.memory_space<semaphore_mem>>)
      %dma_wait3A = arith.constant 0 : i32
      %dma_wait3A_50 = tpu.memref_slice %arg5[%arg0, %mul3A_44, %dma_wait3A] : memref<2x10240x128xf32, #tpu.memory_space<hbm>> -> memref<1x640x128xf32, #tpu.memory_space<hbm>>
      %dma_wait3A_51 = tpu.memref_squeeze %dma_wait3A_50 : memref<1x640x128xf32, #tpu.memory_space<hbm>> -> memref<640x128xf32, #tpu.memory_space<hbm>>
      %dma_wait3A_52 = arith.constant 0 : i32
      %dma_wait3A_53 = tpu.memref_slice %arg11[%mul3A_42, %dma_wait3A_52] : memref<10240x128xf32, #tpu.memory_space<vmem_shared>> -> memref<640x128xf32, #tpu.memory_space<vmem_shared>>
      tpu.wait_dma2 semaphore(%run_scoped3A_45 : memref<!tpu.dma_semaphore, #tpu.memory_space<semaphore_mem>>) src(%dma_wait3A_53 : memref<640x128xf32, #tpu.memory_space<vmem_shared>>) dst(%dma_wait3A_51 : memref<640x128xf32, #tpu.memory_space<hbm>>)
      tpu.yield
    }) : () -> ()
    %run_scoped3A = arith.constant 0 : i32
    "tpu.region"() ({
      %run_scoped3A_45 = tpu.sem_alloc : memref<!tpu.dma_semaphore, #tpu.memory_space<semaphore_mem>>
      %dma_start3A = arith.constant 0 : i32
      %dma_start3A_46 = tpu.memref_slice %arg6[%add3A, %run_scoped3A, %dma_start3A] : memref<32x1x10000xf32, #tpu.memory_space<hbm>> -> memref<1x1x10000xf32, #tpu.memory_space<hbm>>
      %dma_start3A_47 = tpu.memref_squeeze %dma_start3A_46 : memref<1x1x10000xf32, #tpu.memory_space<hbm>> -> memref<10000xf32, #tpu.memory_space<hbm>>
      %dma_start3A_48 = arith.constant 0 : i32
      %dma_start3A_49 = tpu.memref_slice %arg6[%add3A, %run_scoped3A, %dma_start3A_48] : memref<32x1x10000xf32, #tpu.memory_space<hbm>> -> memref<1x1x10000xf32, #tpu.memory_space<hbm>>
      %dma_start3A_50 = tpu.memref_squeeze %dma_start3A_49 : memref<1x1x10000xf32, #tpu.memory_space<hbm>> -> memref<10000xf32, #tpu.memory_space<hbm>>
      tpu.enqueue_dma source(%arg13 : memref<10000xf32, #tpu.memory_space<vmem>>) target(%dma_start3A_50 : memref<10000xf32, #tpu.memory_space<hbm>>) target_semaphore(%run_scoped3A_45 : memref<!tpu.dma_semaphore, #tpu.memory_space<semaphore_mem>>)
      %dma_wait3A = arith.constant 0 : i32
      %dma_wait3A_51 = tpu.memref_slice %arg6[%add3A, %run_scoped3A, %dma_wait3A] : memref<32x1x10000xf32, #tpu.memory_space<hbm>> -> memref<1x1x10000xf32, #tpu.memory_space<hbm>>
      %dma_wait3A_52 = tpu.memref_squeeze %dma_wait3A_51 : memref<1x1x10000xf32, #tpu.memory_space<hbm>> -> memref<10000xf32, #tpu.memory_space<hbm>>
      %dma_wait3A_53 = arith.constant 0 : i32
      %dma_wait3A_54 = tpu.memref_slice %arg6[%add3A, %run_scoped3A, %dma_wait3A_53] : memref<32x1x10000xf32, #tpu.memory_space<hbm>> -> memref<1x1x10000xf32, #tpu.memory_space<hbm>>
      %dma_wait3A_55 = tpu.memref_squeeze %dma_wait3A_54 : memref<1x1x10000xf32, #tpu.memory_space<hbm>> -> memref<10000xf32, #tpu.memory_space<hbm>>
      tpu.wait_dma2 semaphore(%run_scoped3A_45 : memref<!tpu.dma_semaphore, #tpu.memory_space<semaphore_mem>>) src(%arg13 : memref<10000xf32, #tpu.memory_space<vmem>>) dst(%dma_wait3A_55 : memref<10000xf32, #tpu.memory_space<hbm>>)
      tpu.yield
    }) : () -> ()
    return
  }
}

module attributes {stable_mosaic.version = 14 : i64} {
  func.func @_final_body(%arg0: i32, %arg1: memref<2x1000x128xf32, #tpu.memory_space<vmem>>, %arg2: memref<1000x1xf32, #tpu.memory_space<vmem>>, %arg3: memref<1000x128xf32, #tpu.memory_space<vmem>>, %arg4: memref<128x128xf32, #tpu.memory_space<vmem>>, %arg5: memref<1x128xf32, #tpu.memory_space<vmem>>, %arg6: memref<128x1xf32, #tpu.memory_space<vmem>>, %arg7: memref<1x1xf32, #tpu.memory_space<vmem>>, %arg8: memref<1000x1xf32, #tpu.memory_space<vmem>>) attributes {dimension_semantics = [#tpu.dimension_semantics<arbitrary>], iteration_bounds = array<i64: 10>, scalar_prefetch = 0 : i64, scratch_operands = 0 : i64, tpu.core_type = #tpu.core_type<tc>, window_params = [{transform_indices = @transform_0, window_bounds = array<i64: 2, 1000, 128>}, {transform_indices = @transform_1, window_bounds = array<i64: 1000, 1>}, {transform_indices = @transform_2, window_bounds = array<i64: 1000, 128>}, {pipeline_mode = #tpu.pipeline_mode<synchronous>, transform_indices = @transform_3, window_bounds = array<i64: 128, 128>}, {pipeline_mode = #tpu.pipeline_mode<synchronous>, transform_indices = @transform_4, window_bounds = array<i64: 1, 128>}, {pipeline_mode = #tpu.pipeline_mode<synchronous>, transform_indices = @transform_5, window_bounds = array<i64: 128, 1>}, {pipeline_mode = #tpu.pipeline_mode<synchronous>, transform_indices = @transform_6, window_bounds = array<i64: 1, 1>}, {transform_indices = @transform_7, window_bounds = array<i64: 1000, 1>}]} {
    %get3A = arith.constant 0 : index
    %get3A_0 = arith.constant 0 : index
    %get3A_1 = arith.constant 0 : index
    %get3A_2 = vector.load %arg1[%get3A, %get3A_0, %get3A_1] : memref<2x1000x128xf32, #tpu.memory_space<vmem>>, vector<2x1000x128xf32>
    %slice3A = vector.extract_strided_slice %get3A_2 {offsets = [0, 0, 0], sizes = [1, 1000, 128], strides = [1, 1, 1]} : vector<2x1000x128xf32> to vector<1x1000x128xf32>
    %squeeze3A = vector.shape_cast %slice3A : vector<1x1000x128xf32> to vector<1000x128xf32>
    %slice3A_3 = vector.extract_strided_slice %get3A_2 {offsets = [1, 0, 0], sizes = [1, 1000, 128], strides = [1, 1, 1]} : vector<2x1000x128xf32> to vector<1x1000x128xf32>
    %squeeze3A_4 = vector.shape_cast %slice3A_3 : vector<1x1000x128xf32> to vector<1000x128xf32>
    %add3A = arith.addf %squeeze3A, %squeeze3A_4 : vector<1000x128xf32>
    %get3A_5 = arith.constant 0 : index
    %get3A_6 = arith.constant 0 : index
    %get3A_7 = vector.load %arg2[%get3A_5, %get3A_6] : memref<1000x1xf32, #tpu.memory_space<vmem>>, vector<1000x1xf32>
    %mul3A = vector.broadcast %get3A_7 : vector<1000x1xf32> to vector<1000x128xf32>
    %mul3A_8 = arith.mulf %add3A, %mul3A : vector<1000x128xf32>
    %get3A_9 = arith.constant 0 : index
    %get3A_10 = arith.constant 0 : index
    %get3A_11 = vector.load %arg4[%get3A_9, %get3A_10] : memref<128x128xf32, #tpu.memory_space<vmem>>, vector<128x128xf32>
    %dot_general3A = arith.constant dense<0.000000e+00> : vector<1000x128xf32>
    %dot_general3A_12 = tpu.matmul %mul3A_8, %get3A_11, %dot_general3A {dimension_numbers = #tpu.dot_dimension_numbers<[1], [0], [0], [1], [0, 0, 1, 1], [], []>, transpose_lhs_hint = false} : vector<1000x128xf32>, vector<128x128xf32>, vector<1000x128xf32> -> vector<1000x128xf32>
    %get3A_13 = arith.constant 0 : index
    %get3A_14 = arith.constant 0 : index
    %get3A_15 = vector.load %arg5[%get3A_13, %get3A_14] : memref<1x128xf32, #tpu.memory_space<vmem>>, vector<1x128xf32>
    %add3A_16 = vector.broadcast %get3A_15 : vector<1x128xf32> to vector<1000x128xf32>
    %add3A_17 = arith.addf %dot_general3A_12, %add3A_16 : vector<1000x128xf32>
    %max3A = arith.constant 0.000000e+00 : f32
    %max3A_18 = vector.broadcast %max3A : f32 to vector<1000x128xf32>
    %max3A_19 = arith.maximumf %add3A_17, %max3A_18 : vector<1000x128xf32>
    %get3A_20 = arith.constant 0 : index
    %get3A_21 = arith.constant 0 : index
    %get3A_22 = vector.load %arg3[%get3A_20, %get3A_21] : memref<1000x128xf32, #tpu.memory_space<vmem>>, vector<1000x128xf32>
    %add3A_23 = arith.addf %max3A_19, %get3A_22 : vector<1000x128xf32>
    %get3A_24 = arith.constant 0 : index
    %get3A_25 = arith.constant 0 : index
    %get3A_26 = vector.load %arg6[%get3A_24, %get3A_25] : memref<128x1xf32, #tpu.memory_space<vmem>>, vector<128x1xf32>
    %dot_general3A_27 = arith.constant dense<0.000000e+00> : vector<1000x1xf32>
    %dot_general3A_28 = tpu.matmul %add3A_23, %get3A_26, %dot_general3A_27 {dimension_numbers = #tpu.dot_dimension_numbers<[1], [0], [0], [1], [0, 0, 1, 1], [], []>, transpose_lhs_hint = false} : vector<1000x128xf32>, vector<128x1xf32>, vector<1000x1xf32> -> vector<1000x1xf32>
    %get3A_29 = arith.constant 0 : index
    %get3A_30 = arith.constant 0 : index
    %get3A_31 = vector.load %arg7[%get3A_29, %get3A_30] : memref<1x1xf32, #tpu.memory_space<vmem>>, vector<1x1xf32>
    %add3A_32 = vector.broadcast %get3A_31 : vector<1x1xf32> to vector<1000x1xf32>
    %add3A_33 = arith.addf %dot_general3A_28, %add3A_32 : vector<1000x1xf32>
    %swap3A = arith.constant 0 : index
    %swap3A_34 = arith.constant 0 : index
    %swap3A_35 = vector.load %arg8[%swap3A, %swap3A_34] : memref<1000x1xf32, #tpu.memory_space<vmem>>, vector<1000x1xf32>
    tpu.vector_store %arg8[%swap3A, %swap3A_34], %add3A_33 {strides = array<i32>} : memref<1000x1xf32, #tpu.memory_space<vmem>>, vector<1000x1xf32>,
    return
  }
  func.func @transform_0(%arg0: i32) -> (i32, i32, i32) {
    %c0_i32 = arith.constant 0 : i32
    %c0_i32_0 = arith.constant 0 : i32
    %c0_i32_1 = arith.constant 0 : i32
    return %c0_i32, %arg0, %c0_i32_0 : i32, i32, i32
  }
  func.func @transform_1(%arg0: i32) -> (i32, i32) {
    %c0_i32 = arith.constant 0 : i32
    %c0_i32_0 = arith.constant 0 : i32
    return %arg0, %c0_i32 : i32, i32
  }
  func.func @transform_2(%arg0: i32) -> (i32, i32) {
    %c0_i32 = arith.constant 0 : i32
    %c0_i32_0 = arith.constant 0 : i32
    return %arg0, %c0_i32 : i32, i32
  }
  func.func @transform_3(%arg0: i32) -> (i32, i32) {
    %c0_i32 = arith.constant 0 : i32
    %c0_i32_0 = arith.constant 0 : i32
    %c0_i32_1 = arith.constant 0 : i32
    return %c0_i32, %c0_i32_0 : i32, i32
  }
  func.func @transform_4(%arg0: i32) -> (i32, i32) {
    %c0_i32 = arith.constant 0 : i32
    %c0_i32_0 = arith.constant 0 : i32
    %c0_i32_1 = arith.constant 0 : i32
    return %c0_i32, %c0_i32_0 : i32, i32
  }
  func.func @transform_5(%arg0: i32) -> (i32, i32) {
    %c0_i32 = arith.constant 0 : i32
    %c0_i32_0 = arith.constant 0 : i32
    %c0_i32_1 = arith.constant 0 : i32
    return %c0_i32, %c0_i32_0 : i32, i32
  }
  func.func @transform_6(%arg0: i32) -> (i32, i32) {
    %c0_i32 = arith.constant 0 : i32
    %c0_i32_0 = arith.constant 0 : i32
    %c0_i32_1 = arith.constant 0 : i32
    return %c0_i32, %c0_i32_0 : i32, i32
  }
  func.func @transform_7(%arg0: i32) -> (i32, i32) {
    %c0_i32 = arith.constant 0 : i32
    %c0_i32_0 = arith.constant 0 : i32
    return %arg0, %c0_i32 : i32, i32
  }
}

module attributes {stable_mosaic.version = 14 : i64} {
  func.func @_deg_body(%arg0: memref<32x1x10000xf32, #tpu.memory_space<vmem>>, %arg1: memref<10000x1xf32, #tpu.memory_space<vmem>>) attributes {dimension_semantics = [], scalar_prefetch = 0 : i64, scratch_operands = 0 : i64, tpu.core_type = #tpu.core_type<tc>} {
    %get3A = arith.constant 0 : index
    %get3A_0 = arith.constant 0 : index
    %get3A_1 = arith.constant 0 : index
    %get3A_2 = vector.load %arg0[%get3A, %get3A_0, %get3A_1] : memref<32x1x10000xf32, #tpu.memory_space<vmem>>, vector<32x1x10000xf32>
    %reduce_sum3A = arith.constant dense<0.000000e+00> : vector<10000xf32>
    %reduce_sum3A_3 = vector.multi_reduction <add>, %get3A_2, %reduce_sum3A [0, 1] : vector<32x1x10000xf32> to vector<10000xf32>
    %max3A = arith.constant 1.000000e+00 : f32
    %max3A_4 = vector.broadcast %max3A : f32 to vector<10000xf32>
    %max3A_5 = arith.maximumf %reduce_sum3A_3, %max3A_4 : vector<10000xf32>
    %div3A = arith.constant 1.000000e+00 : f32
    %div3A_6 = vector.broadcast %div3A : f32 to vector<10000xf32>
    %div3A_7 = arith.divf %div3A_6, %max3A_5 : vector<10000xf32>
    %broadcast_in_dim3A = vector.shape_cast %div3A_7 : vector<10000xf32> to vector<10000x1xf32>
    %swap3A = arith.constant 0 : index
    %swap3A_8 = arith.constant 0 : index
    %swap3A_9 = vector.load %arg1[%swap3A, %swap3A_8] : memref<10000x1xf32, #tpu.memory_space<vmem>>, vector<10000x1xf32>
    tpu.vector_store %arg1[%swap3A, %swap3A_8], %broadcast_in_dim3A {strides = array<i32>} : memref<10000x1xf32, #tpu.memory_space<vmem>>, vector<10000x1xf32>,
    return
  }
}

module attributes {stable_mosaic.version = 14 : i64} {
  func.func @_layer_body(%arg0: i32, %arg1: memref<2x1000x128xf32, #tpu.memory_space<vmem>>, %arg2: memref<1000x1xf32, #tpu.memory_space<vmem>>, %arg3: memref<1000x128xf32, #tpu.memory_space<vmem>>, %arg4: memref<128x128xf32, #tpu.memory_space<vmem>>, %arg5: memref<1x128xf32, #tpu.memory_space<vmem>>, %arg6: memref<1000x128xf32, #tpu.memory_space<vmem>>) attributes {dimension_semantics = [#tpu.dimension_semantics<arbitrary>], iteration_bounds = array<i64: 10>, scalar_prefetch = 0 : i64, scratch_operands = 0 : i64, tpu.core_type = #tpu.core_type<tc>, window_params = [{transform_indices = @transform_0, window_bounds = array<i64: 2, 1000, 128>}, {transform_indices = @transform_1, window_bounds = array<i64: 1000, 1>}, {transform_indices = @transform_2, window_bounds = array<i64: 1000, 128>}, {pipeline_mode = #tpu.pipeline_mode<synchronous>, transform_indices = @transform_3, window_bounds = array<i64: 128, 128>}, {pipeline_mode = #tpu.pipeline_mode<synchronous>, transform_indices = @transform_4, window_bounds = array<i64: 1, 128>}, {transform_indices = @transform_5, window_bounds = array<i64: 1000, 128>}]} {
    %get3A = arith.constant 0 : index
    %get3A_0 = arith.constant 0 : index
    %get3A_1 = arith.constant 0 : index
    %get3A_2 = vector.load %arg1[%get3A, %get3A_0, %get3A_1] : memref<2x1000x128xf32, #tpu.memory_space<vmem>>, vector<2x1000x128xf32>
    %slice3A = vector.extract_strided_slice %get3A_2 {offsets = [0, 0, 0], sizes = [1, 1000, 128], strides = [1, 1, 1]} : vector<2x1000x128xf32> to vector<1x1000x128xf32>
    %squeeze3A = vector.shape_cast %slice3A : vector<1x1000x128xf32> to vector<1000x128xf32>
    %slice3A_3 = vector.extract_strided_slice %get3A_2 {offsets = [1, 0, 0], sizes = [1, 1000, 128], strides = [1, 1, 1]} : vector<2x1000x128xf32> to vector<1x1000x128xf32>
    %squeeze3A_4 = vector.shape_cast %slice3A_3 : vector<1x1000x128xf32> to vector<1000x128xf32>
    %add3A = arith.addf %squeeze3A, %squeeze3A_4 : vector<1000x128xf32>
    %get3A_5 = arith.constant 0 : index
    %get3A_6 = arith.constant 0 : index
    %get3A_7 = vector.load %arg2[%get3A_5, %get3A_6] : memref<1000x1xf32, #tpu.memory_space<vmem>>, vector<1000x1xf32>
    %mul3A = vector.broadcast %get3A_7 : vector<1000x1xf32> to vector<1000x128xf32>
    %mul3A_8 = arith.mulf %add3A, %mul3A : vector<1000x128xf32>
    %get3A_9 = arith.constant 0 : index
    %get3A_10 = arith.constant 0 : index
    %get3A_11 = vector.load %arg4[%get3A_9, %get3A_10] : memref<128x128xf32, #tpu.memory_space<vmem>>, vector<128x128xf32>
    %dot_general3A = arith.constant dense<0.000000e+00> : vector<1000x128xf32>
    %dot_general3A_12 = tpu.matmul %mul3A_8, %get3A_11, %dot_general3A {dimension_numbers = #tpu.dot_dimension_numbers<[1], [0], [0], [1], [0, 0, 1, 1], [], []>, transpose_lhs_hint = false} : vector<1000x128xf32>, vector<128x128xf32>, vector<1000x128xf32> -> vector<1000x128xf32>
    %get3A_13 = arith.constant 0 : index
    %get3A_14 = arith.constant 0 : index
    %get3A_15 = vector.load %arg5[%get3A_13, %get3A_14] : memref<1x128xf32, #tpu.memory_space<vmem>>, vector<1x128xf32>
    %add3A_16 = vector.broadcast %get3A_15 : vector<1x128xf32> to vector<1000x128xf32>
    %add3A_17 = arith.addf %dot_general3A_12, %add3A_16 : vector<1000x128xf32>
    %max3A = arith.constant 0.000000e+00 : f32
    %max3A_18 = vector.broadcast %max3A : f32 to vector<1000x128xf32>
    %max3A_19 = arith.maximumf %add3A_17, %max3A_18 : vector<1000x128xf32>
    %get3A_20 = arith.constant 0 : index
    %get3A_21 = arith.constant 0 : index
    %get3A_22 = vector.load %arg3[%get3A_20, %get3A_21] : memref<1000x128xf32, #tpu.memory_space<vmem>>, vector<1000x128xf32>
    %add3A_23 = arith.addf %max3A_19, %get3A_22 : vector<1000x128xf32>
    %swap3A = arith.constant 0 : index
    %swap3A_24 = arith.constant 0 : index
    %swap3A_25 = vector.load %arg6[%swap3A, %swap3A_24] : memref<1000x128xf32, #tpu.memory_space<vmem>>, vector<1000x128xf32>
    tpu.vector_store %arg6[%swap3A, %swap3A_24], %add3A_23 {strides = array<i32>} : memref<1000x128xf32, #tpu.memory_space<vmem>>, vector<1000x128xf32>,
    return
  }
  func.func @transform_0(%arg0: i32) -> (i32, i32, i32) {
    %c0_i32 = arith.constant 0 : i32
    %c0_i32_0 = arith.constant 0 : i32
    %c0_i32_1 = arith.constant 0 : i32
    return %c0_i32, %arg0, %c0_i32_0 : i32, i32, i32
  }
  func.func @transform_1(%arg0: i32) -> (i32, i32) {
    %c0_i32 = arith.constant 0 : i32
    %c0_i32_0 = arith.constant 0 : i32
    return %arg0, %c0_i32 : i32, i32
  }
  func.func @transform_2(%arg0: i32) -> (i32, i32) {
    %c0_i32 = arith.constant 0 : i32
    %c0_i32_0 = arith.constant 0 : i32
    return %arg0, %c0_i32 : i32, i32
  }
  func.func @transform_3(%arg0: i32) -> (i32, i32) {
    %c0_i32 = arith.constant 0 : i32
    %c0_i32_0 = arith.constant 0 : i32
    %c0_i32_1 = arith.constant 0 : i32
    return %c0_i32, %c0_i32_0 : i32, i32
  }
  func.func @transform_4(%arg0: i32) -> (i32, i32) {
    %c0_i32 = arith.constant 0 : i32
    %c0_i32_0 = arith.constant 0 : i32
    %c0_i32_1 = arith.constant 0 : i32
    return %c0_i32, %c0_i32_0 : i32, i32
  }
  func.func @transform_5(%arg0: i32) -> (i32, i32) {
    %c0_i32 = arith.constant 0 : i32
    %c0_i32_0 = arith.constant 0 : i32
    return %arg0, %c0_i32 : i32, i32
  }
}

</mosaic_0001>

<sc_bundles>
// kernel: kernel.11.cloned.1.call-start
scs
__scs_entry_jumppad:
0x0: {  	(pc) =	sbr.rel $0x88, $3  }
0x1: {  	(tag) =	ssettag $0x0;
	lr =	simm.s32 $0x1  }
0x2: {  	[smem:$0x3F95] =	sst lr;
	_ =	strace $0xD0000000  }
0x3: {  	_ = 	snop  }
0x4: {  	_ = 	snop  }
0x5: {  	_ = 	snop  }
0x6: {  	_ = 	snop  }
0x7: {  	_ = 	snop  }
__scs_overlays_trampoline_lowered:
0x8: {  	[smem:$0x3FA4] =	sst s0  }
0x9: {  	[smem:$0x3FA5] =	sst s1  }
0xa: {  	[smem:$0x3FA6] =	sst s2  }
0xb: {  	[smem:$0x3FA7] =	sst s3  }
0xc: {  	[smem:$0x3FA8] =	sst s4  }
0xd: {  	[smem:$0x3FA9] =	sst s5  }
0xe: {  	[smem:$0x3FAA] =	sst s6  }
0xf: {  	[smem:$0x3FAB] =	sst s7  }
0x10: {  	[smem:$0x3FAC] =	sst s8  }
0x11: {  	[smem:$0x3FAD] =	sst s9;
	s0 =	simm.s32 @!p0 $0x0  }
0x12: {  	s1 =	sld [smem:$0x3F93];
	s0 =	simm.s32 @p0 $0x1  }
0x13: {  	[smem:$0x3FAE] =	sst s0;
	s0 =	simm.s32 @!p1 $0x0  }
0x14: {  	s2 =	sld [smem:$0x3F92];
	s0 =	simm.s32 @p1 $0x1  }
0x15: {  	[smem:$0x3FAF] =	sst s0;
	s0 =	simm.s32 @!p2 $0x0  }
0x16: {  	s3 =	sld [smem:$0x3FDB];
	s0 =	simm.s32 @p2 $0x1  }
0x17: {  	s4 =	simm.s32 $0x1BF5;
	[smem:$0x3FB1] =	sst s0  }
0x18: {  	s0 =	sld [smem:$0x3F94];
	_ =	swait.ge [sflag:s4], $0x0  }
0x19: {  	s7 =	sld [smem:$0x3F95]  }
0x1a: {  	s8 =	sadd.s32 $0xFFFFE003, lr  }
0x1b: {  	s9 =	sadd.s32 $0xFFFFFEF7, lr;
	s5 =	simm.s32 $0xFFFFFFFF;
	p2 =	slt.u32 s8, $0xFFFFF086  }
0x1c: {  	p1 =	slt.u32 s9, $0xF7A;
	s5 =	simm.s32 @!p2 $0x0  }
0x1d: {  	s5 =	simm.s32 @p1 $0x1;
	p0 =	seq.s32 s7, s2  }
0x1e: {  	s7 =	smul.u32 @!p0 $0xF7A, s2;
	p2 =	seq.s32 @!p0 s5, $0x0  }
0x1f: {  	s9 =	smul.u32 $0xF7A, s1;
	s8 =	simm.s32 @!p0 $0x1BF5;
	p2 =	por !p2, p0  }
0x20: {  	[sflag:s8] =	ssyncset.s32 @!p0 $0xFFFFF086;
	s6 =	sadd.s32 @!p0 s3, s7;
	s7 =	simm.s32 @!p0 $0x108  }
0x21: {  	s3 =	sadd.s32 s3, s9;
	s6 =	sadd.s32 @!p0 $0x88, s6;
	s7 =	simm.s32 @p2 $0x1082  }
0x22: {  	[simem:s7], [sflag:s8] =	dma.local @!p0 [hbm:s6], $0xF7A  }
0x23: {  	s9 =	sor.u32 $0xD0000000, s2;
	s6 =	simm.s32 $0x108;
	_ =	swait.ge @!p0 [sflag:s8], $0x0  }
0x24: {  	s3 =	sadd.s32 $0x88, s3;
	s6 =	simm.s32 @!p1 $0x1082;
	[sflag:s4] =	ssyncset.s32 $0xFFFFF086  }
0x25: {  	[simem:s6], [sflag:s4] =	dma.local [hbm:s3], $0xF7A  }
0x26: {  	[smem:$0x3F95] =	sst s1;
	(tag) =	ssettag s2;
	_ =	strace s9  }
0x27: {  	s1 =	sld [smem:$0x3FA5]  }
0x28: {  	s2 =	sld [smem:$0x3FA6]  }
0x29: {  	s4 =	sld [smem:$0x3FA8]  }
0x2a: {  	p0 =	seq.s32 s5, $0x0;
	s5 =	sld [smem:$0x3FA9]  }
0x2b: {  	s6 =	sld [smem:$0x3FAA]  }
0x2c: {  	s7 =	sld [smem:$0x3FAB]  }
0x2d: {  	s3 =	simm.s32 $0x108;
	s8 =	sld [smem:$0x3FAC]  }
0x2e: {  	s3 =	simm.s32 @!p0 $0x1082;
	s9 =	sld [smem:$0x3FAD]  }
0x2f: {  	lr =	sadd.s32 s0, s3;
	s0 =	sld [smem:$0x3FA4]  }
0x30: {  	s3 =	sld [smem:$0x3FA7]  }
0x31: {  	[smem:$0x3FB0] =	sst s10  }
0x32: {  	s10 =	sld [smem:$0x3FAE];
	_ =	sdelay $0x3  }
0x33: {  	p0 =	seq.s32 s10, $0x1;
	s10 =	sld [smem:$0x3FB0];
	_ =	sdelay $0x3  }
0x34: {  	[smem:$0x3FB0] =	sst s10  }
0x35: {  	s10 =	sld [smem:$0x3FAF];
	_ =	sdelay $0x3  }
0x36: {  	p1 =	seq.s32 s10, $0x1;
	s10 =	sld [smem:$0x3FB0];
	_ =	sdelay $0x3  }
0x37: {  	[smem:$0x3FB0] =	sst s10  }
0x38: {  	s10 =	sld [smem:$0x3FB1]  }
0x39: {  	_ = 	snop;
	(pc) =	sbr.ind lr, $3  }
0x3a: {  	_ = 	snop  }
0x3b: {  	_ = 	snop  }
0x3c: {  	p2 =	seq.s32 s10, $0x1;
	s10 =	sld [smem:$0x3FB0]  }
0x3d: {  	_ =	shalt  }
0x3e: {  	_ =	shalt  }
0x3f: {  	_ =	shalt  }
0x40: {  	_ =	shalt  }
0x41: {  	_ =	shalt  }
0x42: {  	_ =	shalt  }
0x43: {  	_ =	shalt  }
0x44: {  	_ =	shalt  }
0x45: {  	_ =	shalt  }
0x46: {  	_ =	shalt  }
0x47: {  	_ =	shalt  }
0x48: {  	_ =	shalt  }
0x49: {  	_ =	shalt  }
0x4a: {  	_ =	shalt  }
0x4b: {  	_ =	shalt  }
0x4c: {  	_ =	shalt  }
0x4d: {  	_ =	shalt  }
0x4e: {  	_ =	shalt  }
0x4f: {  	_ =	shalt  }
0x50: {  	_ =	shalt  }
0x51: {  	_ =	shalt  }
0x52: {  	_ =	shalt  }
0x53: {  	_ =	shalt  }
0x54: {  	_ =	shalt  }
0x55: {  	_ =	shalt  }
0x56: {  	_ =	shalt  }
0x57: {  	_ =	shalt  }
0x58: {  	_ =	shalt  }
0x59: {  	_ =	shalt  }
0x5a: {  	_ =	shalt  }
0x5b: {  	_ =	shalt  }
0x5c: {  	_ =	shalt  }
0x5d: {  	_ =	shalt  }
0x5e: {  	_ =	shalt  }
0x5f: {  	_ =	shalt  }
0x60: {  	_ =	shalt  }
0x61: {  	_ =	shalt  }
0x62: {  	_ =	shalt  }
0x63: {  	_ =	shalt  }
0x64: {  	_ =	shalt  }
0x65: {  	_ =	shalt  }
0x66: {  	_ =	shalt  }
0x67: {  	_ =	shalt  }
0x68: {  	_ =	shalt  }
0x69: {  	_ =	shalt  }
0x6a: {  	_ =	shalt  }
0x6b: {  	_ =	shalt  }
0x6c: {  	_ =	shalt  }
0x6d: {  	_ =	shalt  }
0x6e: {  	_ =	shalt  }
0x6f: {  	_ =	shalt  }
0x70: {  	_ =	shalt  }
0x71: {  	_ =	shalt  }
0x72: {  	_ =	shalt  }
0x73: {  	_ =	shalt  }
0x74: {  	_ =	shalt  }
0x75: {  	_ =	shalt  }
0x76: {  	_ =	shalt  }
0x77: {  	_ =	shalt  }
0x78: {  	_ =	shalt  }
0x79: {  	_ =	shalt  }
0x7a: {  	_ =	shalt  }
0x7b: {  	_ =	shalt  }
0x7c: {  	_ =	shalt  }
0x7d: {  	_ =	shalt  }
0x7e: {  	_ =	shalt  }
0x7f: {  	_ =	shalt  }
0x80: {  	_ =	shalt  }
0x81: {  	_ =	shalt  }
0x82: {  	_ =	shalt  }
0x83: {  	_ =	shalt  }
0x84: {  	_ =	shalt  }
0x85: {  	_ =	shalt  }
0x86: {  	_ =	shalt  }
0x87: {  	_ =	shalt  }
.Lfunc_end0:
.L_simem_size_0:
called_computation_lowered:
.L_overlay_start_0:
0x88: {  	s2 =	sld [smem:$0x3FD9]  }
0x89: {  	s3 =	sld [smem:$0x3FFE];
	_ =	sdelay $0x1  }
0x8a: {  	s1 =	srdreg.scid  }
0x8b: {  	s0 =	sand.u32 $0x1, s1  }
0x8c: {  	s17 =	sshll.u32 s0, $0xA;
	s2 =	sadd.s32 s3, s2  }
0x8d: {  	s2 =	sadd.s32 s2, s17  }
0x8e: {  	[smem:$0x3FBC] =	sst s2  }
0x8f: {  	_ = 	snop  }
0x90: {  	s2 =	sld [smem:$0x3FC9];
	(tm) =	ssettm $0x1  }
0x91: {  	s18 =	sld [smem:$0x3FFB];
	_ =	sdelay $0x3  }
0x92: {  	_ =	strace s18  }
0x93: {  	s3 =	sld [smem:$0x3FFC];
	_ =	sdelay $0x3  }
0x94: {  	_ =	strace s3  }
0x95: {  	s3 =	sld [smem:$0x3FFD];
	_ =	sdelay $0x3  }
0x96: {  	_ =	strace s3  }
0x97: {  	_ =	strace $0x8FFFFFFF  }
0x98: {  	s19 =	sld [smem:$0x3FDB];
	_ =	sdelay $0x1  }
0x99: {  	s4 =	simm.s32 $_scs_section_size  }
0x9a: {  	s5 =	simm.s32 $_size__tile_overlayer_lowered;
	s6 =	simm.s32 $_tile_overlayer_lowered  }
0x9b: {  	s22 =	simm.s32 $0x1BFF;
	s21 =	sshll.u32 s6, $0x1;
	s3 =	sadd.s32 s4, s19  }
0x9c: {  	s7 =	simm.s32 $0x0;
	s20 =	sshll.u32 s5, $0x1;
	s5 =	sadd.s32 s21, s3  }
0x9d: {  	[timem:s7], [sflag:s22] =	dma.local [hbm:s5], s20  }
0x9e: {  	_ =	swait.ge [sflag:s22], s20  }
0x9f: {  	s4 =	ssub.s32 $0x0, s20;
	[sflag:s22] =	ssyncset.done $0x0  }
0xa0: {  	[sflag:s22] =	ssyncadd.s32 s4;
	_ =	sdelay $0x1  }
0xa1: {  	s23 =	simm.s32 $0x1B8B  }
0xa2: {  	_ =	swait.ge [sflag:s23], $0x1  }
0xa3: {  	[sflag:s23] =	ssyncset.done $0x0  }
0xa4: {  	s25 =	simm.s32 $0x1B8E;
	s24 =	sld [smem:$0x3FFE];
	[sflag:s23] =	ssyncadd.s32 $0xFFFFFFFF  }
0xa5: {  	s26 =	simm.s32 $execute0_lowered;
	[smem:$0x3FD2] =	sst s25  }
0xa6: {  	s5 =	sshll.u32 s26, $0x1;
	_ =	strace $0x80000046;
	[dreg:$0x1] =	wrdreg $0xFFFFFFFF  }
0xa7: {  	s28 =	simm.s32 $_size_execute0_lowered;
	s3 =	sadd.s32 s3, s5;
	[dreg:$0x0] =	wrdreg $0x0  }
0xa8: {  	s5 =	sshll.u32 s28, $0x1;
	[dreg:$0x2] =	wrdreg s3  }
0xa9: {  	[dreg:$0x3] =	wrdreg s5  }
0xaa: {  	[dreg:$0x4] =	wrdreg $0xC0  }
0xab: {  	_ =	task [dreg:s7], $0x5FFFF  }
0xac: {  	[dreg:$0x1] =	wrdreg $0xFFFFFFFF  }
0xad: {  	[dreg:$0x0] =	wrdreg $0x60  }
0xae: {  	[dreg:$0x2] =	wrdreg s2  }
0xaf: {  	[dreg:$0x3] =	wrdreg s24  }
0xb0: {  	[dreg:$0x4] =	wrdreg $0x69000  }
0xb1: {  	[dreg:$0x5] =	wrdreg $0x9  }
0xb2: {  	_ =	task.clear_ibuf [dreg:s7], $0x6FFFF;
	_ =	strace $0x90000046  }
0xb3: {  	s29 =	simm.s32 $0x9;
	_ =	strace $0x80000048  }
0xb4: {  	_ =	swait.ge [sflag:s29], $0x1  }
0xb5: {  	[sflag:s29] =	ssyncadd.s32 $0xFFFFFFFF  }
0xb6: {  	_ =	strace $0x90000048  }
0xb7: {  	_ =	sfence  }
0xb8: {  	s30 =	sld [smem:$0x0];
	_ =	sdelay $0x2  }
0xb9: {  	s31 =	sshll.u32 s1, $0xD;
	s1 =	sshrl.u32 s1, $0x2  }
0xba: {  	s3 =	sand.u32 $0x4000, s31;
	s1 =	sadd.s32 s1, s30  }
0xbb: {  	s0 =	sor.u32 s3, s0;
	s1 =	sshll.u32 s1, $0x11  }
0xbc: {  	s0 =	sor.u32 s1, s0  }
0xbd: {  	s0 =	sadd.s32 $0x8F2B, s0  }
0xbe: {  	[sflag:s0] =	ssyncadd.remote.s32 $0x1  }
0xbf: {  	_ =	sfence.sel $0xFFFF  }
0xc0: {  	[dreg:$0x0] =	wrdreg $0xFFFFFFFF;
	(pc) =	sbr.abs _section_cstart, $3  }
0xc1: {  	[dreg:$0x1] =	wrdreg $0xFFFFFFFF  }
0xc2: {  	_ =	task.clear_ibuf [dreg:s7], $0x2FFFF;
	_ =	strace $0x9FFFFFFF  }
0xc3: {  	(tm) =	ssettm $0x7FFFFFFF  }
tec
execute0_lowered:
.L_overlay_start_1:
0x0: {  	(tag) =	ssettag $0x1  }
0x1: {  	s1 =	rddreg [dreg:$0x0]  }
0x2: {  	s5 =	rddreg [dreg:$0x1]  }
0x3: {  	s3 =	rddreg [dreg:$0x2]  }
0x4: {  	s0 =	srdreg.scid;
	s2 =	rddreg [dreg:$0x3]  }
0x5: {  	s4 =	simm.s32 $0x0;
	s15 =	simm.s32 $0x2900;
	s16 =	simm.s32 $0x2  }
0x6: {  	s17 =	simm.s32 $0x80;
	s18 =	simm.s32 $0x50;
	s6 =	sand.u32 $0x1, s0  }
0x7: {  	s19 =	simm.s32 $0x100;
	s0 =	stileid.u32;
	s7 =	smul.u32 $0x27100, s6  }
0x8: {  	s20 =	simm.s32 $0x1;
	s21 =	simm.s32 $0x1A900;
	s8 =	smul.u32 $0x2710, s0  }
0x9: {  	s22 =	simm.s32 $0x0;
	[smem:$0x7FF] =	sst s4;
	s9 =	smul.u32 $0x140000, s6  }
0xa: {  	s24 =	smul.u32 $0x14000, s0;
	_ =	strace $0x80000047;
	s10 =	sshll.u32 s6, $0x4  }
0xb: {  	s26 =	smul.u32 $0x50000, s0;
	s6 =	ssub.s32 $0x2, s6;
	s25 =	sor.u32 s0, s10  }
0xc: {  	s31 =	sshrl.u32 s6, $0x1;
	s7 =	sadd.s32 s8, s7;
	s8 =	sadd.s32 s24, s9  }
0xd: {  	s29 =	smul.u32 $0x4F0, s25;
	s30 =	sshrl.u32 s26, $0x2;
	s7 =	sshrl.u32 s7, $0x3  }
0xe: {  	s13 =	ssub.s32 s6, s31;
	s28 =	sshrl.u32 s8, $0x3;
	s14 =	sadd.s32 s7, s5  }
0xf: {  	s11 =	sadd.s32 s28, s5;
	s12 =	sadd.s32 s29, s5;
	s5 =	sadd.s32 s30, s3  }
0x10: {  	s6 =	sadd.s32 $0x4000, s5;
	s7 =	sadd.s32 $0x8000, s5;
	s8 =	sadd.s32 $0xC000, s5  }
0x11: {  	s9 =	sadd.s32 $0x10000, s5;
	s10 =	sadd.s32 $0x20200, s11;
	s11 =	sadd.s32 $0x16400, s12  }
0x12: {  	v0 =	vimm.f32 $0.0e+00;
	v1 =	vimm.f32 $1.000000000e+00;
	s12 =	smax.u32 s13, $0x1;
	s13 =	sadd.s32 $0x2800, s14;
	s14 =	sadd.s32 $0xC600, s14  }
.LBB2_1:
0x13: {  	s23 =	simm.s32 $0x0;
	s24 =	simm.s32 $0x200  }
.LBB2_2:
0x14: {  	p0 =	sne.s32 s24, $0xFE00;
	[tilespmem:s23+$0x2970] =	vst v0  }
0x15: {  	[tilespmem:s23+$0x2900] =	vst v0  }
0x16: {  	[tilespmem:s23+$0x2910] =	vst v0  }
.Ltmp0:
0x17: {  	[tilespmem:s23+$0x2920] =	vst v0;
	(pc) =	sbr.rel @p0 .LBB2_2-.Ltmp0, $4  }
0x18: {  	[tilespmem:s23+$0x2930] =	vst v0  }
0x19: {  	[tilespmem:s23+$0x2940] =	vst v0  }
0x1a: {  	[tilespmem:s23+$0x2950] =	vst v0  }
0x1b: {  	[tilespmem:s23+$0x2960] =	vst v0;
	s23 =	sshra.s32 s24, $0x2;
	s24 =	sadd.s32 $0x200, s24  }
0x1c: {  	[tilespmem:s23+$0x2970] =	vst v0  }
0x1d: {  	[tilespmem:s23+$0x2900] =	vst v0  }
0x1e: {  	[tilespmem:s23+$0x2910] =	vst v0  }
0x1f: {  	[tilespmem:s23+$0x2920] =	vst v0  }
0x20: {  	[tilespmem:s23+$0x2930] =	vst v0  }
0x21: {  	[tilespmem:s23+$0x2940] =	vst v0  }
0x22: {  	[tilespmem:s23+$0x2950] =	vst v0  }
0x23: {  	[tilespmem:s23+$0x2960] =	vst v0  }
0x24: {  	[spmem:s5] =	stream.linear.scatter [tilespmem:s15], [sflag:$0x2], $0x4000, $0x38;
	[tilespmem:$0x1D080] =	vst v63  }
0x25: {  	_ =	swait.ge [sflag:s16], $0x4000  }
0x26: {  	[sflag:s16] =	ssyncset.done $0x0  }
0x27: {  	[sflag:s16] =	ssyncadd.s32 $0xFFFFC000  }
0x28: {  	[spmem:s6] =	stream.linear.scatter [tilespmem:s15], [sflag:$0x2], $0x4000, $0x38;
	[tilespmem:$0x1D080] =	vst v63  }
0x29: {  	_ =	swait.ge [sflag:s16], $0x4000  }
0x2a: {  	[sflag:s16] =	ssyncset.done $0x0  }
0x2b: {  	[sflag:s16] =	ssyncadd.s32 $0xFFFFC000  }
0x2c: {  	[spmem:s7] =	stream.linear.scatter [tilespmem:s15], [sflag:$0x2], $0x4000, $0x38;
	[tilespmem:$0x1D080] =	vst v63  }
0x2d: {  	_ =	swait.ge [sflag:s16], $0x4000  }
0x2e: {  	[sflag:s16] =	ssyncset.done $0x0  }
0x2f: {  	[sflag:s16] =	ssyncadd.s32 $0xFFFFC000  }
0x30: {  	[spmem:s8] =	stream.linear.scatter [tilespmem:s15], [sflag:$0x2], $0x4000, $0x38;
	[tilespmem:$0x1D080] =	vst v63  }
0x31: {  	_ =	swait.ge [sflag:s16], $0x4000  }
0x32: {  	[sflag:s16] =	ssyncset.done $0x0  }
0x33: {  	[sflag:s16] =	ssyncadd.s32 $0xFFFFC000  }
0x34: {  	[spmem:s9] =	stream.linear.scatter [tilespmem:s15], [sflag:$0x2], $0x4000, $0x38;
	[tilespmem:$0x1D080] =	vst v63  }
0x35: {  	_ =	swait.ge [sflag:s16], $0x4000  }
0x36: {  	[sflag:s16] =	ssyncset.done $0x0  }
0x37: {  	s23 =	simm.s32 $0x40;
	s24 =	simm.s32 $0x0;
	[sflag:s16] =	ssyncadd.s32 $0xFFFFC000  }
.LBB2_4:
0x38: {  	p0 =	sne.s32 s23, $0x9C00;
	[tilespmem:s24+$0x1A900] =	vst v0;
	s24 =	smov.u32 s23;
	s23 =	sadd.s32 $0x40, s23  }
.Ltmp1:
0x39: {  	(pc) =	sbr.rel @p0 .LBB2_4-.Ltmp1, $2  }
0x3a: {  	_ =	sdelay $0x2  }
0x3b: {  	s24 =	sshra.s32 s24, $0x2  }
0x3c: {  	[tilespmem:s24+$0x1A900] =	vst v0  }
0x3d: {  	s23 =	simm.s32 $0x0;
	[bflag:$0x0] =	sbarrier.arrive $0xFFFF  }
.LBB2_6:
0x3e: {  	s24 =	sadd.s32 s23, s14  }
0x3f: {  	[tilespmem:s4], [sflag:$0x2] =	stream.linear.gather [hbm4b:s24+s4], $0x50, $0x38;
	[tilespmem:$0x1D080] =	vst v63  }
0x40: {  	_ =	swait.ge [sflag:s16], $0x50  }
0x41: {  	[sflag:s16] =	ssyncset.done $0x0  }
0x42: {  	s31 =	sadd.s32 s23, s13;
	[sflag:s16] =	ssyncadd.s32 $0xFFFFFFB0  }
0x43: {  	[tilespmem:s17], [sflag:$0x2] =	stream.linear.gather [hbm4b:s31+s4], $0x50, $0x38;
	[tilespmem:$0x1D080] =	vst v63  }
0x44: {  	_ =	swait.ge [sflag:s16], $0x50  }
0x45: {  	[sflag:s16] =	ssyncset.done $0x0  }
0x46: {  	[sflag:s16] =	ssyncadd.s32 $0xFFFFFFB0  }
0x47: {  	[tilespmem:s19], [sflag:$0x1] =	stream.indirect.gather [hbm4b:s1+s18], $0x80, s4, s18, $0xb8;
	[tilespmem:$0x1D080] =	vst v63  }
0x48: {  	_ =	swait.ge [sflag:s20], $0x2800  }
0x49: {  	[sflag:s20] =	ssyncset.done $0x0  }
0x4a: {  	[sflag:s20] =	ssyncadd.s32 $0xFFFFD800  }
0x4b: {  	[spmem:s3] =	stream.indirect.scatter.add.f32 [tilespmem:s19], [sflag:$0x2], $0x80, s17, s18, $0xb8;
	[tilespmem:$0x1D080] =	vst v63  }
0x4c: {  	_ =	swait.ge [sflag:s16], $0x2800  }
0x4d: {  	[sflag:s16] =	ssyncset.done $0x0  }
0x4e: {  	[sflag:s16] =	ssyncadd.s32 $0xFFFFD800  }
0x4f: {  	v2 =	vld [tilespmem:$0x80];
	_ =	sdelay $0x7  }
0x50: {  	[tilespmem:v2+s21+$0x0] =	vst.idx.add.f32.msk $0xffff, v1  }
0x51: {  	v2 =	vld [tilespmem:$0x90];
	_ =	sdelay $0x7  }
0x52: {  	[tilespmem:v2+s21+$0x0] =	vst.idx.add.f32.msk $0xffff, v1  }
0x53: {  	v2 =	vld [tilespmem:$0xA0];
	_ =	sdelay $0x7  }
0x54: {  	[tilespmem:v2+s21+$0x0] =	vst.idx.add.f32.msk $0xffff, v1  }
0x55: {  	v2 =	vld [tilespmem:$0xB0];
	_ =	sdelay $0x7  }
0x56: {  	[tilespmem:v2+s21+$0x0] =	vst.idx.add.f32.msk $0xffff, v1  }
0x57: {  	v2 =	vld [tilespmem:$0xC0];
	_ =	sdelay $0x2  }
0x58: {  	p0 =	sne.s32 s23, $0x4D8  }
.Ltmp2:
0x59: {  	_ = 	snop;
	(pc) =	sbr.rel @p0 .LBB2_6-.Ltmp2, $2  }
0x5a: {  	_ =	sdelay $0x2  }
0x5b: {  	s23 =	sadd.s32 $0xA, s23;
	[tilespmem:v2+s21+$0x0] =	vst.idx.add.f32.msk $0xffff, v1  }
0x5c: {  	s23 =	sshll.u32 s0, $0x6  }
0x5d: {  	[bflag:$0x0] =	sbarrier.arrive $0xFFFF;
	s24 =	sshrl.u32 s5, $0x3;
	s23 =	sor.u32 $0x1C02, s23  }
0x5e: {  	[hbm:s10], [sflag:s23] =	dma.local [spmem:s24], $0x2800  }
0x5f: {  	s22 =	sadd.s32 $0x1, s22;
	_ =	swait.ge [sflag:s16], $0x2800  }
0x60: {  	p0 =	sne.s32 s22, s12;
	[sflag:s16] =	ssyncset.done $0x0  }
.Ltmp3:
0x61: {  	[sflag:s16] =	ssyncadd.s32 $0xFFFFD800;
	(pc) =	sbr.rel @p0 .LBB2_1-.Ltmp3, $4  }
0x62: {  	[hbm4b:s11+s4] =	stream.linear.scatter [tilespmem:s21], [sflag:$0x2], $0x2780, $0x38;
	[tilespmem:$0x1D080] =	vst v63  }
0x63: {  	_ =	swait.ge [sflag:s16], $0x2780  }
0x64: {  	[sflag:s16] =	ssyncset.done $0x0  }
0x65: {  	[sflag:s16] =	ssyncadd.s32 $0xFFFFD880  }
0x66: {  	_ =	sfence.sel $0x180000  }
0x67: {  	[bflag:$0x0] =	sbarrier.arrive $0xFFFF  }
0x68: {  	p0 =	sne.s32 s0, $0x0;
	_ =	strace $0x90000047  }
0x69: {  	s0 =	sadd.s32 @!p0 $0x100000, s2;
	[bflag:$0x2] =	sbarrier.arrive $0xFFFF  }
0x6a: {  	[sflag:s0] =	ssyncadd.tile.s32 @!p0 $0x1;
	_ =	shalt  }
.Lfunc_end2:
_tile_overlayer_lowered:
.L_overlay_start_2:
0x6b: {  	(tag) =	ssettag $0x2  }
0x6c: {  	s0 =	rddreg [dreg:$0x0];
	s2 =	stileid.u32  }
0x6d: {  	s1 =	rddreg [dreg:$0x1];
	p0 =	sne.s32 s2, $0x0  }
0x6e: {  	s3 =	rddreg [dreg:$0x2];
	[bflag:$0x3] =	sbarrier.arrive $0xFFFF;
	s2 =	simm.s32 @!p0 $0x1C02  }
0x6f: {  	[timem:s3], [sflag:s2] =	dma.local @!p0 [hbm:s0], s1  }
0x70: {  	s0 =	simm.s32 @!p0 $0x2  }
0x71: {  	_ =	swait.ge @!p0 [sflag:s0], s1  }
0x72: {  	s1 =	ssub.s32 @!p0 $0x0, s1;
	[sflag:s0] =	ssyncset.done @!p0 $0x0  }
0x73: {  	[sflag:s0] =	ssyncadd.s32 @!p0 s1  }
0x74: {  	[bflag:$0x3] =	sbarrier.arrive $0xFFFF  }
0x75: {  	_ =	shalt  }

// kernel: kernel.14.cloned.1.call-start
scs
__scs_entry_jumppad:
0x0: {  	(pc) =	sbr.rel $0x88, $3  }
0x1: {  	(tag) =	ssettag $0x0;
	lr =	simm.s32 $0x1  }
0x2: {  	[smem:$0x3F95] =	sst lr;
	_ =	strace $0xD0000000  }
0x3: {  	_ = 	snop  }
0x4: {  	_ = 	snop  }
0x5: {  	_ = 	snop  }
0x6: {  	_ = 	snop  }
0x7: {  	_ = 	snop  }
__scs_overlays_trampoline_lowered:
0x8: {  	[smem:$0x3FA4] =	sst s0  }
0x9: {  	[smem:$0x3FA5] =	sst s1  }
0xa: {  	[smem:$0x3FA6] =	sst s2  }
0xb: {  	[smem:$0x3FA7] =	sst s3  }
0xc: {  	[smem:$0x3FA8] =	sst s4  }
0xd: {  	[smem:$0x3FA9] =	sst s5  }
0xe: {  	[smem:$0x3FAA] =	sst s6  }
0xf: {  	[smem:$0x3FAB] =	sst s7  }
0x10: {  	[smem:$0x3FAC] =	sst s8  }
0x11: {  	[smem:$0x3FAD] =	sst s9;
	s0 =	simm.s32 @!p0 $0x0  }
0x12: {  	s1 =	sld [smem:$0x3F93];
	s0 =	simm.s32 @p0 $0x1  }
0x13: {  	[smem:$0x3FAE] =	sst s0;
	s0 =	simm.s32 @!p1 $0x0  }
0x14: {  	s2 =	sld [smem:$0x3F92];
	s0 =	simm.s32 @p1 $0x1  }
0x15: {  	[smem:$0x3FAF] =	sst s0;
	s0 =	simm.s32 @!p2 $0x0  }
0x16: {  	s3 =	sld [smem:$0x3FDB];
	s0 =	simm.s32 @p2 $0x1  }
0x17: {  	s4 =	simm.s32 $0x1BF5;
	[smem:$0x3FB1] =	sst s0  }
0x18: {  	s0 =	sld [smem:$0x3F94];
	_ =	swait.ge [sflag:s4], $0x0  }
0x19: {  	s7 =	sld [smem:$0x3F95]  }
0x1a: {  	s8 =	sadd.s32 $0xFFFFE003, lr  }
0x1b: {  	s9 =	sadd.s32 $0xFFFFFEF7, lr;
	s5 =	simm.s32 $0xFFFFFFFF;
	p2 =	slt.u32 s8, $0xFFFFF086  }
0x1c: {  	p1 =	slt.u32 s9, $0xF7A;
	s5 =	simm.s32 @!p2 $0x0  }
0x1d: {  	s5 =	simm.s32 @p1 $0x1;
	p0 =	seq.s32 s7, s2  }
0x1e: {  	s7 =	smul.u32 @!p0 $0xF7A, s2;
	p2 =	seq.s32 @!p0 s5, $0x0  }
0x1f: {  	s9 =	smul.u32 $0xF7A, s1;
	s8 =	simm.s32 @!p0 $0x1BF5;
	p2 =	por !p2, p0  }
0x20: {  	[sflag:s8] =	ssyncset.s32 @!p0 $0xFFFFF086;
	s6 =	sadd.s32 @!p0 s3, s7;
	s7 =	simm.s32 @!p0 $0x108  }
0x21: {  	s3 =	sadd.s32 s3, s9;
	s6 =	sadd.s32 @!p0 $0x88, s6;
	s7 =	simm.s32 @p2 $0x1082  }
0x22: {  	[simem:s7], [sflag:s8] =	dma.local @!p0 [hbm:s6], $0xF7A  }
0x23: {  	s9 =	sor.u32 $0xD0000000, s2;
	s6 =	simm.s32 $0x108;
	_ =	swait.ge @!p0 [sflag:s8], $0x0  }
0x24: {  	s3 =	sadd.s32 $0x88, s3;
	s6 =	simm.s32 @!p1 $0x1082;
	[sflag:s4] =	ssyncset.s32 $0xFFFFF086  }
0x25: {  	[simem:s6], [sflag:s4] =	dma.local [hbm:s3], $0xF7A  }
0x26: {  	[smem:$0x3F95] =	sst s1;
	(tag) =	ssettag s2;
	_ =	strace s9  }
0x27: {  	s1 =	sld [smem:$0x3FA5]  }
0x28: {  	s2 =	sld [smem:$0x3FA6]  }
0x29: {  	s4 =	sld [smem:$0x3FA8]  }
0x2a: {  	p0 =	seq.s32 s5, $0x0;
	s5 =	sld [smem:$0x3FA9]  }
0x2b: {  	s6 =	sld [smem:$0x3FAA]  }
0x2c: {  	s7 =	sld [smem:$0x3FAB]  }
0x2d: {  	s3 =	simm.s32 $0x108;
	s8 =	sld [smem:$0x3FAC]  }
0x2e: {  	s3 =	simm.s32 @!p0 $0x1082;
	s9 =	sld [smem:$0x3FAD]  }
0x2f: {  	lr =	sadd.s32 s0, s3;
	s0 =	sld [smem:$0x3FA4]  }
0x30: {  	s3 =	sld [smem:$0x3FA7]  }
0x31: {  	[smem:$0x3FB0] =	sst s10  }
0x32: {  	s10 =	sld [smem:$0x3FAE];
	_ =	sdelay $0x3  }
0x33: {  	p0 =	seq.s32 s10, $0x1;
	s10 =	sld [smem:$0x3FB0];
	_ =	sdelay $0x3  }
0x34: {  	[smem:$0x3FB0] =	sst s10  }
0x35: {  	s10 =	sld [smem:$0x3FAF];
	_ =	sdelay $0x3  }
0x36: {  	p1 =	seq.s32 s10, $0x1;
	s10 =	sld [smem:$0x3FB0];
	_ =	sdelay $0x3  }
0x37: {  	[smem:$0x3FB0] =	sst s10  }
0x38: {  	s10 =	sld [smem:$0x3FB1]  }
0x39: {  	_ = 	snop;
	(pc) =	sbr.ind lr, $3  }
0x3a: {  	_ = 	snop  }
0x3b: {  	_ = 	snop  }
0x3c: {  	p2 =	seq.s32 s10, $0x1;
	s10 =	sld [smem:$0x3FB0]  }
0x3d: {  	_ =	shalt  }
0x3e: {  	_ =	shalt  }
0x3f: {  	_ =	shalt  }
0x40: {  	_ =	shalt  }
0x41: {  	_ =	shalt  }
0x42: {  	_ =	shalt  }
0x43: {  	_ =	shalt  }
0x44: {  	_ =	shalt  }
0x45: {  	_ =	shalt  }
0x46: {  	_ =	shalt  }
0x47: {  	_ =	shalt  }
0x48: {  	_ =	shalt  }
0x49: {  	_ =	shalt  }
0x4a: {  	_ =	shalt  }
0x4b: {  	_ =	shalt  }
0x4c: {  	_ =	shalt  }
0x4d: {  	_ =	shalt  }
0x4e: {  	_ =	shalt  }
0x4f: {  	_ =	shalt  }
0x50: {  	_ =	shalt  }
0x51: {  	_ =	shalt  }
0x52: {  	_ =	shalt  }
0x53: {  	_ =	shalt  }
0x54: {  	_ =	shalt  }
0x55: {  	_ =	shalt  }
0x56: {  	_ =	shalt  }
0x57: {  	_ =	shalt  }
0x58: {  	_ =	shalt  }
0x59: {  	_ =	shalt  }
0x5a: {  	_ =	shalt  }
0x5b: {  	_ =	shalt  }
0x5c: {  	_ =	shalt  }
0x5d: {  	_ =	shalt  }
0x5e: {  	_ =	shalt  }
0x5f: {  	_ =	shalt  }
0x60: {  	_ =	shalt  }
0x61: {  	_ =	shalt  }
0x62: {  	_ =	shalt  }
0x63: {  	_ =	shalt  }
0x64: {  	_ =	shalt  }
0x65: {  	_ =	shalt  }
0x66: {  	_ =	shalt  }
0x67: {  	_ =	shalt  }
0x68: {  	_ =	shalt  }
0x69: {  	_ =	shalt  }
0x6a: {  	_ =	shalt  }
0x6b: {  	_ =	shalt  }
0x6c: {  	_ =	shalt  }
0x6d: {  	_ =	shalt  }
0x6e: {  	_ =	shalt  }
0x6f: {  	_ =	shalt  }
0x70: {  	_ =	shalt  }
0x71: {  	_ =	shalt  }
0x72: {  	_ =	shalt  }
0x73: {  	_ =	shalt  }
0x74: {  	_ =	shalt  }
0x75: {  	_ =	shalt  }
0x76: {  	_ =	shalt  }
0x77: {  	_ =	shalt  }
0x78: {  	_ =	shalt  }
0x79: {  	_ =	shalt  }
0x7a: {  	_ =	shalt  }
0x7b: {  	_ =	shalt  }
0x7c: {  	_ =	shalt  }
0x7d: {  	_ =	shalt  }
0x7e: {  	_ =	shalt  }
0x7f: {  	_ =	shalt  }
0x80: {  	_ =	shalt  }
0x81: {  	_ =	shalt  }
0x82: {  	_ =	shalt  }
0x83: {  	_ =	shalt  }
0x84: {  	_ =	shalt  }
0x85: {  	_ =	shalt  }
0x86: {  	_ =	shalt  }
0x87: {  	_ =	shalt  }
.Lfunc_end0:
.L_simem_size_0:
called_computation.1_lowered:
.L_overlay_start_0:
0x88: {  	s2 =	sld [smem:$0x3FD9]  }
0x89: {  	s3 =	sld [smem:$0x3FFE];
	_ =	sdelay $0x1  }
0x8a: {  	s1 =	srdreg.scid  }
0x8b: {  	s0 =	sand.u32 $0x1, s1  }
0x8c: {  	s16 =	sshll.u32 s0, $0xA;
	s2 =	sadd.s32 s3, s2  }
0x8d: {  	s2 =	sadd.s32 s2, s16  }
0x8e: {  	[smem:$0x3FBC] =	sst s2  }
0x8f: {  	_ = 	snop  }
0x90: {  	(tm) =	ssettm $0x1  }
0x91: {  	s17 =	sld [smem:$0x3FFB];
	_ =	sdelay $0x3  }
0x92: {  	_ =	strace s17  }
0x93: {  	s2 =	sld [smem:$0x3FFC];
	_ =	sdelay $0x3  }
0x94: {  	_ =	strace s2  }
0x95: {  	s2 =	sld [smem:$0x3FFD];
	_ =	sdelay $0x3  }
0x96: {  	_ =	strace s2  }
0x97: {  	_ =	strace $0x8FFFFFFF  }
0x98: {  	s18 =	sld [smem:$0x3FDB];
	_ =	sdelay $0x1  }
0x99: {  	s19 =	simm.s32 $_scs_section_size  }
0x9a: {  	s4 =	simm.s32 $_size__tile_overlayer_lowered;
	s5 =	simm.s32 $_tile_overlayer_lowered  }
0x9b: {  	s22 =	simm.s32 $0x1BFF;
	s21 =	sshll.u32 s5, $0x1;
	s2 =	sadd.s32 s19, s18  }
0x9c: {  	s6 =	simm.s32 $0x0;
	s20 =	sshll.u32 s4, $0x1;
	s4 =	sadd.s32 s21, s2  }
0x9d: {  	[timem:s6], [sflag:s22] =	dma.local [hbm:s4], s20  }
0x9e: {  	_ =	swait.ge [sflag:s22], s20  }
0x9f: {  	s3 =	ssub.s32 $0x0, s20;
	[sflag:s22] =	ssyncset.done $0x0  }
0xa0: {  	[sflag:s22] =	ssyncadd.s32 s3;
	_ =	sdelay $0x1  }
0xa1: {  	s23 =	simm.s32 $0x1B8B  }
0xa2: {  	_ =	swait.ge [sflag:s23], $0x1  }
0xa3: {  	[sflag:s23] =	ssyncset.done $0x0  }
0xa4: {  	s25 =	simm.s32 $0x1B8E;
	s24 =	sld [smem:$0x3FFE];
	[sflag:s23] =	ssyncadd.s32 $0xFFFFFFFF  }
0xa5: {  	s26 =	simm.s32 $execute0_lowered;
	[smem:$0x3FD2] =	sst s25  }
0xa6: {  	s4 =	sshll.u32 s26, $0x1;
	_ =	strace $0x80000049;
	[dreg:$0x1] =	wrdreg $0xFFFFFFFF  }
0xa7: {  	s28 =	simm.s32 $_size_execute0_lowered;
	s2 =	sadd.s32 s2, s4;
	[dreg:$0x0] =	wrdreg $0x0  }
0xa8: {  	s4 =	sshll.u32 s28, $0x1;
	[dreg:$0x2] =	wrdreg s2  }
0xa9: {  	[dreg:$0x3] =	wrdreg s4  }
0xaa: {  	[dreg:$0x4] =	wrdreg $0xC0  }
0xab: {  	_ =	task [dreg:s6], $0x5FFFF  }
0xac: {  	[dreg:$0x1] =	wrdreg $0xFFFFFFFF  }
0xad: {  	[dreg:$0x0] =	wrdreg $0x60  }
0xae: {  	[dreg:$0x2] =	wrdreg s24  }
0xaf: {  	[dreg:$0x3] =	wrdreg $0x69000  }
0xb0: {  	[dreg:$0x4] =	wrdreg $0x9  }
0xb1: {  	_ =	task.clear_ibuf [dreg:s6], $0x5FFFF;
	_ =	strace $0x90000049  }
0xb2: {  	s29 =	simm.s32 $0x9;
	_ =	strace $0x8000004B  }
0xb3: {  	_ =	swait.ge [sflag:s29], $0x1  }
0xb4: {  	[sflag:s29] =	ssyncadd.s32 $0xFFFFFFFF  }
0xb5: {  	_ =	strace $0x9000004B  }
0xb6: {  	_ =	sfence  }
0xb7: {  	s30 =	sld [smem:$0x0];
	_ =	sdelay $0x2  }
0xb8: {  	s31 =	sshll.u32 s1, $0xD;
	s1 =	sshrl.u32 s1, $0x2  }
0xb9: {  	s3 =	sand.u32 $0x4000, s31;
	s1 =	sadd.s32 s1, s30  }
0xba: {  	s0 =	sor.u32 s3, s0;
	s1 =	sshll.u32 s1, $0x11  }
0xbb: {  	s0 =	sor.u32 s1, s0  }
0xbc: {  	s0 =	sadd.s32 $0x8F2B, s0  }
0xbd: {  	[sflag:s0] =	ssyncadd.remote.s32 $0x1  }
0xbe: {  	_ =	sfence.sel $0xFFFF  }
0xbf: {  	[dreg:$0x0] =	wrdreg $0xFFFFFFFF;
	(pc) =	sbr.abs _section_cstart, $3  }
0xc0: {  	[dreg:$0x1] =	wrdreg $0xFFFFFFFF  }
0xc1: {  	_ =	task.clear_ibuf [dreg:s6], $0x2FFFF;
	_ =	strace $0x9FFFFFFF  }
0xc2: {  	(tm) =	ssettm $0x7FFFFFFF  }
0xc3: {  	_ =	shalt  }
tec
execute0_lowered:
.L_overlay_start_1:
0x0: {  	(tag) =	ssettag $0x1  }
0x1: {  	s5 =	rddreg [dreg:$0x0];
	s0 =	srdreg.scid  }
0x2: {  	s2 =	rddreg [dreg:$0x1];
	s1 =	stileid.u32;
	s3 =	simm.s32 $0x0  }
0x3: {  	s14 =	simm.s32 $0x2900;
	s15 =	simm.s32 $0x2;
	s16 =	simm.s32 $0x80  }
0x4: {  	s17 =	simm.s32 $0x50;
	s18 =	simm.s32 $0x100;
	s7 =	smul.u32 $0x2710, s1  }
0x5: {  	s19 =	simm.s32 $0x1;
	s22 =	simm.s32 $0x0;
	s9 =	smul.u32 $0x14000, s1  }
0x6: {  	s6 =	sand.u32 $0x1, s0;
	s0 =	rddreg [dreg:$0x2];
	s10 =	smul.u32 $0x50000, s1  }
0x7: {  	[smem:$0x7FF] =	sst s3;
	s20 =	sshll.u32 s1, $0x6;
	s4 =	smul.u32 $0x27100, s6  }
0x8: {  	s8 =	smul.u32 $0x140000, s6;
	_ =	strace $0x8000004A;
	s6 =	ssub.s32 $0x2, s6  }
0x9: {  	s20 =	sor.u32 $0x1C02, s20;
	s29 =	sshrl.u32 s6, $0x1;
	s7 =	sadd.s32 s7, s4  }
0xa: {  	s30 =	sshrl.u32 s10, $0x2;
	s28 =	sadd.s32 s9, s8;
	s7 =	sshrl.u32 s7, $0x3  }
0xb: {  	s11 =	ssub.s32 s6, s29;
	s13 =	sadd.s32 s7, s5;
	s7 =	sshrl.u32 s28, $0x3  }
0xc: {  	s4 =	sadd.s32 $0x16400, s5;
	s11 =	smax.u32 s11, $0x1;
	s31 =	sadd.s32 s7, s5  }
0xd: {  	s5 =	sadd.s32 s30, s2;
	s12 =	sadd.s32 $0x2800, s13;
	s13 =	sadd.s32 $0xC600, s13  }
0xe: {  	s6 =	sadd.s32 $0x4000, s5;
	s7 =	sadd.s32 $0x8000, s5;
	s8 =	sadd.s32 $0xC000, s5  }
0xf: {  	v0 =	vimm.f32 $0.0e+00;
	s9 =	sadd.s32 $0x10000, s5;
	s10 =	sadd.s32 $0x3D600, s31;
	s21 =	sshrl.u32 s5, $0x3  }
.LBB2_1:
0x10: {  	s23 =	simm.s32 $0x0;
	s24 =	simm.s32 $0x200  }
.LBB2_2:
0x11: {  	p0 =	sne.s32 s24, $0xFE00;
	[tilespmem:s23+$0x2970] =	vst v0  }
0x12: {  	[tilespmem:s23+$0x2900] =	vst v0  }
0x13: {  	[tilespmem:s23+$0x2910] =	vst v0  }
.Ltmp0:
0x14: {  	[tilespmem:s23+$0x2920] =	vst v0;
	(pc) =	sbr.rel @p0 .LBB2_2-.Ltmp0, $4  }
0x15: {  	[tilespmem:s23+$0x2930] =	vst v0  }
0x16: {  	[tilespmem:s23+$0x2940] =	vst v0  }
0x17: {  	[tilespmem:s23+$0x2950] =	vst v0  }
0x18: {  	[tilespmem:s23+$0x2960] =	vst v0;
	s23 =	sshra.s32 s24, $0x2;
	s24 =	sadd.s32 $0x200, s24  }
0x19: {  	[tilespmem:s23+$0x2970] =	vst v0  }
0x1a: {  	[tilespmem:s23+$0x2900] =	vst v0  }
0x1b: {  	[tilespmem:s23+$0x2910] =	vst v0  }
0x1c: {  	[tilespmem:s23+$0x2920] =	vst v0  }
0x1d: {  	[tilespmem:s23+$0x2930] =	vst v0  }
0x1e: {  	[tilespmem:s23+$0x2940] =	vst v0  }
0x1f: {  	[tilespmem:s23+$0x2950] =	vst v0  }
0x20: {  	[tilespmem:s23+$0x2960] =	vst v0  }
0x21: {  	[spmem:s5] =	stream.linear.scatter [tilespmem:s14], [sflag:$0x2], $0x4000, $0x38;
	[tilespmem:$0x1A900] =	vst v63  }
0x22: {  	_ =	swait.ge [sflag:s15], $0x4000  }
0x23: {  	[sflag:s15] =	ssyncset.done $0x0  }
0x24: {  	[sflag:s15] =	ssyncadd.s32 $0xFFFFC000  }
0x25: {  	[spmem:s6] =	stream.linear.scatter [tilespmem:s14], [sflag:$0x2], $0x4000, $0x38;
	[tilespmem:$0x1A900] =	vst v63  }
0x26: {  	_ =	swait.ge [sflag:s15], $0x4000  }
0x27: {  	[sflag:s15] =	ssyncset.done $0x0  }
0x28: {  	[sflag:s15] =	ssyncadd.s32 $0xFFFFC000  }
0x29: {  	[spmem:s7] =	stream.linear.scatter [tilespmem:s14], [sflag:$0x2], $0x4000, $0x38;
	[tilespmem:$0x1A900] =	vst v63  }
0x2a: {  	_ =	swait.ge [sflag:s15], $0x4000  }
0x2b: {  	[sflag:s15] =	ssyncset.done $0x0  }
0x2c: {  	[sflag:s15] =	ssyncadd.s32 $0xFFFFC000  }
0x2d: {  	[spmem:s8] =	stream.linear.scatter [tilespmem:s14], [sflag:$0x2], $0x4000, $0x38;
	[tilespmem:$0x1A900] =	vst v63  }
0x2e: {  	_ =	swait.ge [sflag:s15], $0x4000  }
0x2f: {  	[sflag:s15] =	ssyncset.done $0x0  }
0x30: {  	[sflag:s15] =	ssyncadd.s32 $0xFFFFC000  }
0x31: {  	[spmem:s9] =	stream.linear.scatter [tilespmem:s14], [sflag:$0x2], $0x4000, $0x38;
	[tilespmem:$0x1A900] =	vst v63  }
0x32: {  	_ =	swait.ge [sflag:s15], $0x4000  }
0x33: {  	[sflag:s15] =	ssyncset.done $0x0  }
0x34: {  	[sflag:s15] =	ssyncadd.s32 $0xFFFFC000  }
0x35: {  	s30 =	sadd.s32 $0x0, s13;
	[bflag:$0x0] =	sbarrier.arrive $0xFFFF  }
0x36: {  	[tilespmem:s3], [sflag:$0x2] =	stream.linear.gather [hbm4b:s30+s3], $0x50, $0x38;
	[tilespmem:$0x1A900] =	vst v63  }
0x37: {  	_ =	swait.ge [sflag:s15], $0x50  }
0x38: {  	[sflag:s15] =	ssyncset.done $0x0  }
0x39: {  	s31 =	sadd.s32 $0x0, s12;
	[sflag:s15] =	ssyncadd.s32 $0xFFFFFFB0  }
0x3a: {  	[tilespmem:s16], [sflag:$0x2] =	stream.linear.gather [hbm4b:s31+s3], $0x50, $0x38;
	[tilespmem:$0x1A900] =	vst v63  }
0x3b: {  	_ =	swait.ge [sflag:s15], $0x50  }
0x3c: {  	[sflag:s15] =	ssyncset.done $0x0  }
0x3d: {  	[sflag:s15] =	ssyncadd.s32 $0xFFFFFFB0  }
0x3e: {  	[tilespmem:s18], [sflag:$0x1] =	stream.indirect.gather [hbm4b:s4+s17], $0x80, s3, s17, $0xb8;
	[tilespmem:$0x1A900] =	vst v63  }
0x3f: {  	_ =	swait.ge [sflag:s19], $0x2800  }
0x40: {  	[sflag:s19] =	ssyncset.done $0x0  }
0x41: {  	[sflag:s19] =	ssyncadd.s32 $0xFFFFD800  }
0x42: {  	[spmem:s2] =	stream.indirect.scatter.add.f32 [tilespmem:s18], [sflag:$0x2], $0x80, s16, s17, $0xb8;
	[tilespmem:$0x1A900] =	vst v63  }
0x43: {  	_ =	swait.ge [sflag:s15], $0x2800  }
0x44: {  	s23 =	simm.s32 $0xA;
	s24 =	simm.s32 $0x14;
	[sflag:s15] =	ssyncset.done $0x0  }
.LBB2_4:
0x45: {  	s25 =	sadd.s32 s23, s13  }
0x46: {  	[sflag:s15] =	ssyncadd.s32 $0xFFFFD800;
	s26 =	smov.u32 s24;
	s28 =	sadd.s32 $0xA, s24  }
0x47: {  	[tilespmem:s3], [sflag:$0x2] =	stream.linear.gather [hbm4b:s25+s3], $0x50, $0x38;
	[tilespmem:$0x1A900] =	vst v63  }
0x48: {  	p0 =	sne.s32 s24, $0x4D8;
	_ =	swait.ge [sflag:s15], $0x50  }
0x49: {  	[sflag:s15] =	ssyncset.done $0x0  }
0x4a: {  	s24 =	sadd.s32 s23, s12;
	s23 =	smov.u32 s26;
	[sflag:s15] =	ssyncadd.s32 $0xFFFFFFB0  }
0x4b: {  	[tilespmem:s16], [sflag:$0x2] =	stream.linear.gather [hbm4b:s24+s3], $0x50, $0x38;
	[tilespmem:$0x1A900] =	vst v63  }
0x4c: {  	_ =	swait.ge [sflag:s15], $0x50  }
0x4d: {  	[sflag:s15] =	ssyncset.done $0x0  }
0x4e: {  	[sflag:s15] =	ssyncadd.s32 $0xFFFFFFB0  }
0x4f: {  	[tilespmem:s18], [sflag:$0x1] =	stream.indirect.gather [hbm4b:s4+s17], $0x80, s3, s17, $0xb8;
	[tilespmem:$0x1A900] =	vst v63  }
0x50: {  	_ =	swait.ge [sflag:s19], $0x2800  }
.Ltmp1:
0x51: {  	[sflag:s19] =	ssyncset.done $0x0;
	(pc) =	sbr.rel @p0 .LBB2_4-.Ltmp1, $4  }
0x52: {  	[sflag:s19] =	ssyncadd.s32 $0xFFFFD800  }
0x53: {  	[spmem:s2] =	stream.indirect.scatter.add.f32 [tilespmem:s18], [sflag:$0x2], $0x80, s16, s17, $0xb8;
	[tilespmem:$0x1A900] =	vst v63  }
0x54: {  	_ =	swait.ge [sflag:s15], $0x2800  }
0x55: {  	s24 =	smov.u32 s28;
	[sflag:s15] =	ssyncset.done $0x0  }
0x56: {  	s24 =	sadd.s32 s23, s13;
	[sflag:s15] =	ssyncadd.s32 $0xFFFFD800  }
0x57: {  	[tilespmem:s3], [sflag:$0x2] =	stream.linear.gather [hbm4b:s24+s3], $0x50, $0x38;
	[tilespmem:$0x1A900] =	vst v63  }
0x58: {  	_ =	swait.ge [sflag:s15], $0x50  }
0x59: {  	[sflag:s15] =	ssyncset.done $0x0  }
0x5a: {  	s31 =	sadd.s32 s23, s12;
	[sflag:s15] =	ssyncadd.s32 $0xFFFFFFB0  }
0x5b: {  	[tilespmem:s16], [sflag:$0x2] =	stream.linear.gather [hbm4b:s31+s3], $0x50, $0x38;
	[tilespmem:$0x1A900] =	vst v63  }
0x5c: {  	_ =	swait.ge [sflag:s15], $0x50  }
0x5d: {  	[sflag:s15] =	ssyncset.done $0x0  }
0x5e: {  	[sflag:s15] =	ssyncadd.s32 $0xFFFFFFB0  }
0x5f: {  	[tilespmem:s18], [sflag:$0x1] =	stream.indirect.gather [hbm4b:s4+s17], $0x80, s3, s17, $0xb8;
	[tilespmem:$0x1A900] =	vst v63  }
0x60: {  	_ =	swait.ge [sflag:s19], $0x2800  }
0x61: {  	[sflag:s19] =	ssyncset.done $0x0  }
0x62: {  	[sflag:s19] =	ssyncadd.s32 $0xFFFFD800  }
0x63: {  	[spmem:s2] =	stream.indirect.scatter.add.f32 [tilespmem:s18], [sflag:$0x2], $0x80, s16, s17, $0xb8;
	[tilespmem:$0x1A900] =	vst v63  }
0x64: {  	_ =	swait.ge [sflag:s15], $0x2800  }
0x65: {  	s22 =	sadd.s32 $0x1, s22;
	[sflag:s15] =	ssyncset.done $0x0  }
0x66: {  	p0 =	sne.s32 s22, s11;
	[sflag:s15] =	ssyncadd.s32 $0xFFFFD800  }
.Ltmp2:
0x67: {  	[bflag:$0x0] =	sbarrier.arrive $0xFFFF;
	(pc) =	sbr.rel @p0 .LBB2_1-.Ltmp2, $4  }
0x68: {  	[hbm:s10], [sflag:s20] =	dma.local [spmem:s21], $0x2800  }
0x69: {  	_ =	swait.ge [sflag:s15], $0x2800  }
0x6a: {  	[sflag:s15] =	ssyncset.done $0x0  }
0x6b: {  	[sflag:s15] =	ssyncadd.s32 $0xFFFFD800  }
0x6c: {  	_ =	sfence.sel $0x180000  }
0x6d: {  	[bflag:$0x0] =	sbarrier.arrive $0xFFFF  }
0x6e: {  	p0 =	sne.s32 s1, $0x0;
	_ =	strace $0x9000004A  }
0x6f: {  	s0 =	sadd.s32 @!p0 $0x100000, s0;
	[bflag:$0x2] =	sbarrier.arrive $0xFFFF  }
0x70: {  	[sflag:s0] =	ssyncadd.tile.s32 @!p0 $0x1;
	_ =	shalt  }
.Lfunc_end2:
_tile_overlayer_lowered:
.L_overlay_start_2:
0x71: {  	(tag) =	ssettag $0x2  }
0x72: {  	s0 =	rddreg [dreg:$0x0];
	s2 =	stileid.u32  }
0x73: {  	s1 =	rddreg [dreg:$0x1];
	p0 =	sne.s32 s2, $0x0  }
0x74: {  	s3 =	rddreg [dreg:$0x2];
	[bflag:$0x3] =	sbarrier.arrive $0xFFFF;
	s2 =	simm.s32 @!p0 $0x1C02  }
0x75: {  	[timem:s3], [sflag:s2] =	dma.local @!p0 [hbm:s0], s1  }
0x76: {  	s0 =	simm.s32 @!p0 $0x2  }
0x77: {  	_ =	swait.ge @!p0 [sflag:s0], s1  }
0x78: {  	s1 =	ssub.s32 @!p0 $0x0, s1;
	[sflag:s0] =	ssyncset.done @!p0 $0x0  }
0x79: {  	[sflag:s0] =	ssyncadd.s32 @!p0 s1  }
0x7a: {  	[bflag:$0x3] =	sbarrier.arrive $0xFFFF  }
0x7b: {  	_ =	shalt  }

// kernel: kernel.17.cloned.1.call-start
scs
__scs_entry_jumppad:
0x0: {  	(pc) =	sbr.rel $0x88, $3  }
0x1: {  	(tag) =	ssettag $0x0;
	lr =	simm.s32 $0x1  }
0x2: {  	[smem:$0x3F95] =	sst lr;
	_ =	strace $0xD0000000  }
0x3: {  	_ = 	snop  }
0x4: {  	_ = 	snop  }
0x5: {  	_ = 	snop  }
0x6: {  	_ = 	snop  }
0x7: {  	_ = 	snop  }
__scs_overlays_trampoline_lowered:
0x8: {  	[smem:$0x3FA4] =	sst s0  }
0x9: {  	[smem:$0x3FA5] =	sst s1  }
0xa: {  	[smem:$0x3FA6] =	sst s2  }
0xb: {  	[smem:$0x3FA7] =	sst s3  }
0xc: {  	[smem:$0x3FA8] =	sst s4  }
0xd: {  	[smem:$0x3FA9] =	sst s5  }
0xe: {  	[smem:$0x3FAA] =	sst s6  }
0xf: {  	[smem:$0x3FAB] =	sst s7  }
0x10: {  	[smem:$0x3FAC] =	sst s8  }
0x11: {  	[smem:$0x3FAD] =	sst s9;
	s0 =	simm.s32 @!p0 $0x0  }
0x12: {  	s1 =	sld [smem:$0x3F93];
	s0 =	simm.s32 @p0 $0x1  }
0x13: {  	[smem:$0x3FAE] =	sst s0;
	s0 =	simm.s32 @!p1 $0x0  }
0x14: {  	s2 =	sld [smem:$0x3F92];
	s0 =	simm.s32 @p1 $0x1  }
0x15: {  	[smem:$0x3FAF] =	sst s0;
	s0 =	simm.s32 @!p2 $0x0  }
0x16: {  	s3 =	sld [smem:$0x3FDB];
	s0 =	simm.s32 @p2 $0x1  }
0x17: {  	s4 =	simm.s32 $0x1BF5;
	[smem:$0x3FB1] =	sst s0  }
0x18: {  	s0 =	sld [smem:$0x3F94];
	_ =	swait.ge [sflag:s4], $0x0  }
0x19: {  	s7 =	sld [smem:$0x3F95]  }
0x1a: {  	s8 =	sadd.s32 $0xFFFFE003, lr  }
0x1b: {  	s9 =	sadd.s32 $0xFFFFFEF7, lr;
	s5 =	simm.s32 $0xFFFFFFFF;
	p2 =	slt.u32 s8, $0xFFFFF086  }
0x1c: {  	p1 =	slt.u32 s9, $0xF7A;
	s5 =	simm.s32 @!p2 $0x0  }
0x1d: {  	s5 =	simm.s32 @p1 $0x1;
	p0 =	seq.s32 s7, s2  }
0x1e: {  	s7 =	smul.u32 @!p0 $0xF7A, s2;
	p2 =	seq.s32 @!p0 s5, $0x0  }
0x1f: {  	s9 =	smul.u32 $0xF7A, s1;
	s8 =	simm.s32 @!p0 $0x1BF5;
	p2 =	por !p2, p0  }
0x20: {  	[sflag:s8] =	ssyncset.s32 @!p0 $0xFFFFF086;
	s6 =	sadd.s32 @!p0 s3, s7;
	s7 =	simm.s32 @!p0 $0x108  }
0x21: {  	s3 =	sadd.s32 s3, s9;
	s6 =	sadd.s32 @!p0 $0x88, s6;
	s7 =	simm.s32 @p2 $0x1082  }
0x22: {  	[simem:s7], [sflag:s8] =	dma.local @!p0 [hbm:s6], $0xF7A  }
0x23: {  	s9 =	sor.u32 $0xD0000000, s2;
	s6 =	simm.s32 $0x108;
	_ =	swait.ge @!p0 [sflag:s8], $0x0  }
0x24: {  	s3 =	sadd.s32 $0x88, s3;
	s6 =	simm.s32 @!p1 $0x1082;
	[sflag:s4] =	ssyncset.s32 $0xFFFFF086  }
0x25: {  	[simem:s6], [sflag:s4] =	dma.local [hbm:s3], $0xF7A  }
0x26: {  	[smem:$0x3F95] =	sst s1;
	(tag) =	ssettag s2;
	_ =	strace s9  }
0x27: {  	s1 =	sld [smem:$0x3FA5]  }
0x28: {  	s2 =	sld [smem:$0x3FA6]  }
0x29: {  	s4 =	sld [smem:$0x3FA8]  }
0x2a: {  	p0 =	seq.s32 s5, $0x0;
	s5 =	sld [smem:$0x3FA9]  }
0x2b: {  	s6 =	sld [smem:$0x3FAA]  }
0x2c: {  	s7 =	sld [smem:$0x3FAB]  }
0x2d: {  	s3 =	simm.s32 $0x108;
	s8 =	sld [smem:$0x3FAC]  }
0x2e: {  	s3 =	simm.s32 @!p0 $0x1082;
	s9 =	sld [smem:$0x3FAD]  }
0x2f: {  	lr =	sadd.s32 s0, s3;
	s0 =	sld [smem:$0x3FA4]  }
0x30: {  	s3 =	sld [smem:$0x3FA7]  }
0x31: {  	[smem:$0x3FB0] =	sst s10  }
0x32: {  	s10 =	sld [smem:$0x3FAE];
	_ =	sdelay $0x3  }
0x33: {  	p0 =	seq.s32 s10, $0x1;
	s10 =	sld [smem:$0x3FB0];
	_ =	sdelay $0x3  }
0x34: {  	[smem:$0x3FB0] =	sst s10  }
0x35: {  	s10 =	sld [smem:$0x3FAF];
	_ =	sdelay $0x3  }
0x36: {  	p1 =	seq.s32 s10, $0x1;
	s10 =	sld [smem:$0x3FB0];
	_ =	sdelay $0x3  }
0x37: {  	[smem:$0x3FB0] =	sst s10  }
0x38: {  	s10 =	sld [smem:$0x3FB1]  }
0x39: {  	_ = 	snop;
	(pc) =	sbr.ind lr, $3  }
0x3a: {  	_ = 	snop  }
0x3b: {  	_ = 	snop  }
0x3c: {  	p2 =	seq.s32 s10, $0x1;
	s10 =	sld [smem:$0x3FB0]  }
0x3d: {  	_ =	shalt  }
0x3e: {  	_ =	shalt  }
0x3f: {  	_ =	shalt  }
0x40: {  	_ =	shalt  }
0x41: {  	_ =	shalt  }
0x42: {  	_ =	shalt  }
0x43: {  	_ =	shalt  }
0x44: {  	_ =	shalt  }
0x45: {  	_ =	shalt  }
0x46: {  	_ =	shalt  }
0x47: {  	_ =	shalt  }
0x48: {  	_ =	shalt  }
0x49: {  	_ =	shalt  }
0x4a: {  	_ =	shalt  }
0x4b: {  	_ =	shalt  }
0x4c: {  	_ =	shalt  }
0x4d: {  	_ =	shalt  }
0x4e: {  	_ =	shalt  }
0x4f: {  	_ =	shalt  }
0x50: {  	_ =	shalt  }
0x51: {  	_ =	shalt  }
0x52: {  	_ =	shalt  }
0x53: {  	_ =	shalt  }
0x54: {  	_ =	shalt  }
0x55: {  	_ =	shalt  }
0x56: {  	_ =	shalt  }
0x57: {  	_ =	shalt  }
0x58: {  	_ =	shalt  }
0x59: {  	_ =	shalt  }
0x5a: {  	_ =	shalt  }
0x5b: {  	_ =	shalt  }
0x5c: {  	_ =	shalt  }
0x5d: {  	_ =	shalt  }
0x5e: {  	_ =	shalt  }
0x5f: {  	_ =	shalt  }
0x60: {  	_ =	shalt  }
0x61: {  	_ =	shalt  }
0x62: {  	_ =	shalt  }
0x63: {  	_ =	shalt  }
0x64: {  	_ =	shalt  }
0x65: {  	_ =	shalt  }
0x66: {  	_ =	shalt  }
0x67: {  	_ =	shalt  }
0x68: {  	_ =	shalt  }
0x69: {  	_ =	shalt  }
0x6a: {  	_ =	shalt  }
0x6b: {  	_ =	shalt  }
0x6c: {  	_ =	shalt  }
0x6d: {  	_ =	shalt  }
0x6e: {  	_ =	shalt  }
0x6f: {  	_ =	shalt  }
0x70: {  	_ =	shalt  }
0x71: {  	_ =	shalt  }
0x72: {  	_ =	shalt  }
0x73: {  	_ =	shalt  }
0x74: {  	_ =	shalt  }
0x75: {  	_ =	shalt  }
0x76: {  	_ =	shalt  }
0x77: {  	_ =	shalt  }
0x78: {  	_ =	shalt  }
0x79: {  	_ =	shalt  }
0x7a: {  	_ =	shalt  }
0x7b: {  	_ =	shalt  }
0x7c: {  	_ =	shalt  }
0x7d: {  	_ =	shalt  }
0x7e: {  	_ =	shalt  }
0x7f: {  	_ =	shalt  }
0x80: {  	_ =	shalt  }
0x81: {  	_ =	shalt  }
0x82: {  	_ =	shalt  }
0x83: {  	_ =	shalt  }
0x84: {  	_ =	shalt  }
0x85: {  	_ =	shalt  }
0x86: {  	_ =	shalt  }
0x87: {  	_ =	shalt  }
.Lfunc_end0:
.L_simem_size_0:
called_computation.2_lowered:
.L_overlay_start_0:
0x88: {  	s2 =	sld [smem:$0x3FD9]  }
0x89: {  	s3 =	sld [smem:$0x3FFE];
	_ =	sdelay $0x1  }
0x8a: {  	s1 =	srdreg.scid  }
0x8b: {  	s0 =	sand.u32 $0x1, s1  }
0x8c: {  	s16 =	sshll.u32 s0, $0xA;
	s2 =	sadd.s32 s3, s2  }
0x8d: {  	s2 =	sadd.s32 s2, s16  }
0x8e: {  	[smem:$0x3FBC] =	sst s2  }
0x8f: {  	_ = 	snop  }
0x90: {  	(tm) =	ssettm $0x1  }
0x91: {  	s17 =	sld [smem:$0x3FFB];
	_ =	sdelay $0x3  }
0x92: {  	_ =	strace s17  }
0x93: {  	s2 =	sld [smem:$0x3FFC];
	_ =	sdelay $0x3  }
0x94: {  	_ =	strace s2  }
0x95: {  	s2 =	sld [smem:$0x3FFD];
	_ =	sdelay $0x3  }
0x96: {  	_ =	strace s2  }
0x97: {  	_ =	strace $0x8FFFFFFF  }
0x98: {  	s18 =	sld [smem:$0x3FDB];
	_ =	sdelay $0x1  }
0x99: {  	s19 =	simm.s32 $_scs_section_size  }
0x9a: {  	s4 =	simm.s32 $_size__tile_overlayer_lowered;
	s5 =	simm.s32 $_tile_overlayer_lowered  }
0x9b: {  	s22 =	simm.s32 $0x1BFF;
	s21 =	sshll.u32 s5, $0x1;
	s2 =	sadd.s32 s19, s18  }
0x9c: {  	s6 =	simm.s32 $0x0;
	s20 =	sshll.u32 s4, $0x1;
	s4 =	sadd.s32 s21, s2  }
0x9d: {  	[timem:s6], [sflag:s22] =	dma.local [hbm:s4], s20  }
0x9e: {  	_ =	swait.ge [sflag:s22], s20  }
0x9f: {  	s3 =	ssub.s32 $0x0, s20;
	[sflag:s22] =	ssyncset.done $0x0  }
0xa0: {  	[sflag:s22] =	ssyncadd.s32 s3;
	_ =	sdelay $0x1  }
0xa1: {  	s23 =	simm.s32 $0x1B8B  }
0xa2: {  	_ =	swait.ge [sflag:s23], $0x1  }
0xa3: {  	[sflag:s23] =	ssyncset.done $0x0  }
0xa4: {  	s25 =	simm.s32 $0x1B8E;
	s24 =	sld [smem:$0x3FFE];
	[sflag:s23] =	ssyncadd.s32 $0xFFFFFFFF  }
0xa5: {  	s26 =	simm.s32 $execute0_lowered;
	[smem:$0x3FD2] =	sst s25  }
0xa6: {  	s4 =	sshll.u32 s26, $0x1;
	_ =	strace $0x8000004C;
	[dreg:$0x1] =	wrdreg $0xFFFFFFFF  }
0xa7: {  	s28 =	simm.s32 $_size_execute0_lowered;
	s2 =	sadd.s32 s2, s4;
	[dreg:$0x0] =	wrdreg $0x0  }
0xa8: {  	s4 =	sshll.u32 s28, $0x1;
	[dreg:$0x2] =	wrdreg s2  }
0xa9: {  	[dreg:$0x3] =	wrdreg s4  }
0xaa: {  	[dreg:$0x4] =	wrdreg $0xC0  }
0xab: {  	_ =	task [dreg:s6], $0x5FFFF  }
0xac: {  	[dreg:$0x1] =	wrdreg $0xFFFFFFFF  }
0xad: {  	[dreg:$0x0] =	wrdreg $0x60  }
0xae: {  	[dreg:$0x2] =	wrdreg s24  }
0xaf: {  	[dreg:$0x3] =	wrdreg $0x69000  }
0xb0: {  	[dreg:$0x4] =	wrdreg $0x9  }
0xb1: {  	_ =	task.clear_ibuf [dreg:s6], $0x5FFFF;
	_ =	strace $0x9000004C  }
0xb2: {  	s29 =	simm.s32 $0x9;
	_ =	strace $0x8000004E  }
0xb3: {  	_ =	swait.ge [sflag:s29], $0x1  }
0xb4: {  	[sflag:s29] =	ssyncadd.s32 $0xFFFFFFFF  }
0xb5: {  	_ =	strace $0x9000004E  }
0xb6: {  	_ =	sfence  }
0xb7: {  	s30 =	sld [smem:$0x0];
	_ =	sdelay $0x2  }
0xb8: {  	s31 =	sshll.u32 s1, $0xD;
	s1 =	sshrl.u32 s1, $0x2  }
0xb9: {  	s3 =	sand.u32 $0x4000, s31;
	s1 =	sadd.s32 s1, s30  }
0xba: {  	s0 =	sor.u32 s3, s0;
	s1 =	sshll.u32 s1, $0x11  }
0xbb: {  	s0 =	sor.u32 s1, s0  }
0xbc: {  	s0 =	sadd.s32 $0x8F2B, s0  }
0xbd: {  	[sflag:s0] =	ssyncadd.remote.s32 $0x1  }
0xbe: {  	_ =	sfence.sel $0xFFFF  }
0xbf: {  	[dreg:$0x0] =	wrdreg $0xFFFFFFFF;
	(pc) =	sbr.abs _section_cstart, $3  }
0xc0: {  	[dreg:$0x1] =	wrdreg $0xFFFFFFFF  }
0xc1: {  	_ =	task.clear_ibuf [dreg:s6], $0x2FFFF;
	_ =	strace $0x9FFFFFFF  }
0xc2: {  	(tm) =	ssettm $0x7FFFFFFF  }
0xc3: {  	_ =	shalt  }
tec
execute0_lowered:
.L_overlay_start_1:
0x0: {  	(tag) =	ssettag $0x1  }
0x1: {  	s5 =	rddreg [dreg:$0x0];
	s0 =	srdreg.scid  }
0x2: {  	s2 =	rddreg [dreg:$0x1];
	s1 =	stileid.u32;
	s3 =	simm.s32 $0x0  }
0x3: {  	s14 =	simm.s32 $0x2900;
	s15 =	simm.s32 $0x2;
	s16 =	simm.s32 $0x80  }
0x4: {  	s17 =	simm.s32 $0x50;
	s18 =	simm.s32 $0x100;
	s7 =	smul.u32 $0x2710, s1  }
0x5: {  	s19 =	simm.s32 $0x1;
	s22 =	simm.s32 $0x0;
	s9 =	smul.u32 $0x14000, s1  }
0x6: {  	s6 =	sand.u32 $0x1, s0;
	s0 =	rddreg [dreg:$0x2];
	s10 =	smul.u32 $0x50000, s1  }
0x7: {  	[smem:$0x7FF] =	sst s3;
	s20 =	sshll.u32 s1, $0x6;
	s4 =	smul.u32 $0x27100, s6  }
0x8: {  	s8 =	smul.u32 $0x140000, s6;
	_ =	strace $0x8000004D;
	s6 =	ssub.s32 $0x2, s6  }
0x9: {  	s20 =	sor.u32 $0x1C02, s20;
	s29 =	sshrl.u32 s6, $0x1;
	s7 =	sadd.s32 s7, s4  }
0xa: {  	s30 =	sshrl.u32 s10, $0x2;
	s28 =	sadd.s32 s9, s8;
	s7 =	sshrl.u32 s7, $0x3  }
0xb: {  	s11 =	ssub.s32 s6, s29;
	s13 =	sadd.s32 s7, s5;
	s7 =	sshrl.u32 s28, $0x3  }
0xc: {  	s4 =	sadd.s32 $0x16400, s5;
	s11 =	smax.u32 s11, $0x1;
	s31 =	sadd.s32 s7, s5  }
0xd: {  	s5 =	sadd.s32 s30, s2;
	s12 =	sadd.s32 $0x2800, s13;
	s13 =	sadd.s32 $0xC600, s13  }
0xe: {  	s6 =	sadd.s32 $0x4000, s5;
	s7 =	sadd.s32 $0x8000, s5;
	s8 =	sadd.s32 $0xC000, s5  }
0xf: {  	v0 =	vimm.f32 $0.0e+00;
	s9 =	sadd.s32 $0x10000, s5;
	s10 =	sadd.s32 $0x3D600, s31;
	s21 =	sshrl.u32 s5, $0x3  }
.LBB2_1:
0x10: {  	s23 =	simm.s32 $0x0;
	s24 =	simm.s32 $0x200  }
.LBB2_2:
0x11: {  	p0 =	sne.s32 s24, $0xFE00;
	[tilespmem:s23+$0x2970] =	vst v0  }
0x12: {  	[tilespmem:s23+$0x2900] =	vst v0  }
0x13: {  	[tilespmem:s23+$0x2910] =	vst v0  }
.Ltmp0:
0x14: {  	[tilespmem:s23+$0x2920] =	vst v0;
	(pc) =	sbr.rel @p0 .LBB2_2-.Ltmp0, $4  }
0x15: {  	[tilespmem:s23+$0x2930] =	vst v0  }
0x16: {  	[tilespmem:s23+$0x2940] =	vst v0  }
0x17: {  	[tilespmem:s23+$0x2950] =	vst v0  }
0x18: {  	[tilespmem:s23+$0x2960] =	vst v0;
	s23 =	sshra.s32 s24, $0x2;
	s24 =	sadd.s32 $0x200, s24  }
0x19: {  	[tilespmem:s23+$0x2970] =	vst v0  }
0x1a: {  	[tilespmem:s23+$0x2900] =	vst v0  }
0x1b: {  	[tilespmem:s23+$0x2910] =	vst v0  }
0x1c: {  	[tilespmem:s23+$0x2920] =	vst v0  }
0x1d: {  	[tilespmem:s23+$0x2930] =	vst v0  }
0x1e: {  	[tilespmem:s23+$0x2940] =	vst v0  }
0x1f: {  	[tilespmem:s23+$0x2950] =	vst v0  }
0x20: {  	[tilespmem:s23+$0x2960] =	vst v0  }
0x21: {  	[spmem:s5] =	stream.linear.scatter [tilespmem:s14], [sflag:$0x2], $0x4000, $0x38;
	[tilespmem:$0x1A900] =	vst v63  }
0x22: {  	_ =	swait.ge [sflag:s15], $0x4000  }
0x23: {  	[sflag:s15] =	ssyncset.done $0x0  }
0x24: {  	[sflag:s15] =	ssyncadd.s32 $0xFFFFC000  }
0x25: {  	[spmem:s6] =	stream.linear.scatter [tilespmem:s14], [sflag:$0x2], $0x4000, $0x38;
	[tilespmem:$0x1A900] =	vst v63  }
0x26: {  	_ =	swait.ge [sflag:s15], $0x4000  }
0x27: {  	[sflag:s15] =	ssyncset.done $0x0  }
0x28: {  	[sflag:s15] =	ssyncadd.s32 $0xFFFFC000  }
0x29: {  	[spmem:s7] =	stream.linear.scatter [tilespmem:s14], [sflag:$0x2], $0x4000, $0x38;
	[tilespmem:$0x1A900] =	vst v63  }
0x2a: {  	_ =	swait.ge [sflag:s15], $0x4000  }
0x2b: {  	[sflag:s15] =	ssyncset.done $0x0  }
0x2c: {  	[sflag:s15] =	ssyncadd.s32 $0xFFFFC000  }
0x2d: {  	[spmem:s8] =	stream.linear.scatter [tilespmem:s14], [sflag:$0x2], $0x4000, $0x38;
	[tilespmem:$0x1A900] =	vst v63  }
0x2e: {  	_ =	swait.ge [sflag:s15], $0x4000  }
0x2f: {  	[sflag:s15] =	ssyncset.done $0x0  }
0x30: {  	[sflag:s15] =	ssyncadd.s32 $0xFFFFC000  }
0x31: {  	[spmem:s9] =	stream.linear.scatter [tilespmem:s14], [sflag:$0x2], $0x4000, $0x38;
	[tilespmem:$0x1A900] =	vst v63  }
0x32: {  	_ =	swait.ge [sflag:s15], $0x4000  }
0x33: {  	[sflag:s15] =	ssyncset.done $0x0  }
0x34: {  	[sflag:s15] =	ssyncadd.s32 $0xFFFFC000  }
0x35: {  	s30 =	sadd.s32 $0x0, s13;
	[bflag:$0x0] =	sbarrier.arrive $0xFFFF  }
0x36: {  	[tilespmem:s3], [sflag:$0x2] =	stream.linear.gather [hbm4b:s30+s3], $0x50, $0x38;
	[tilespmem:$0x1A900] =	vst v63  }
0x37: {  	_ =	swait.ge [sflag:s15], $0x50  }
0x38: {  	[sflag:s15] =	ssyncset.done $0x0  }
0x39: {  	s31 =	sadd.s32 $0x0, s12;
	[sflag:s15] =	ssyncadd.s32 $0xFFFFFFB0  }
0x3a: {  	[tilespmem:s16], [sflag:$0x2] =	stream.linear.gather [hbm4b:s31+s3], $0x50, $0x38;
	[tilespmem:$0x1A900] =	vst v63  }
0x3b: {  	_ =	swait.ge [sflag:s15], $0x50  }
0x3c: {  	[sflag:s15] =	ssyncset.done $0x0  }
0x3d: {  	[sflag:s15] =	ssyncadd.s32 $0xFFFFFFB0  }
0x3e: {  	[tilespmem:s18], [sflag:$0x1] =	stream.indirect.gather [hbm4b:s4+s17], $0x80, s3, s17, $0xb8;
	[tilespmem:$0x1A900] =	vst v63  }
0x3f: {  	_ =	swait.ge [sflag:s19], $0x2800  }
0x40: {  	[sflag:s19] =	ssyncset.done $0x0  }
0x41: {  	[sflag:s19] =	ssyncadd.s32 $0xFFFFD800  }
0x42: {  	[spmem:s2] =	stream.indirect.scatter.add.f32 [tilespmem:s18], [sflag:$0x2], $0x80, s16, s17, $0xb8;
	[tilespmem:$0x1A900] =	vst v63  }
0x43: {  	_ =	swait.ge [sflag:s15], $0x2800  }
0x44: {  	s23 =	simm.s32 $0xA;
	s24 =	simm.s32 $0x14;
	[sflag:s15] =	ssyncset.done $0x0  }
.LBB2_4:
0x45: {  	s25 =	sadd.s32 s23, s13  }
0x46: {  	[sflag:s15] =	ssyncadd.s32 $0xFFFFD800;
	s26 =	smov.u32 s24;
	s28 =	sadd.s32 $0xA, s24  }
0x47: {  	[tilespmem:s3], [sflag:$0x2] =	stream.linear.gather [hbm4b:s25+s3], $0x50, $0x38;
	[tilespmem:$0x1A900] =	vst v63  }
0x48: {  	p0 =	sne.s32 s24, $0x4D8;
	_ =	swait.ge [sflag:s15], $0x50  }
0x49: {  	[sflag:s15] =	ssyncset.done $0x0  }
0x4a: {  	s24 =	sadd.s32 s23, s12;
	s23 =	smov.u32 s26;
	[sflag:s15] =	ssyncadd.s32 $0xFFFFFFB0  }
0x4b: {  	[tilespmem:s16], [sflag:$0x2] =	stream.linear.gather [hbm4b:s24+s3], $0x50, $0x38;
	[tilespmem:$0x1A900] =	vst v63  }
0x4c: {  	_ =	swait.ge [sflag:s15], $0x50  }
0x4d: {  	[sflag:s15] =	ssyncset.done $0x0  }
0x4e: {  	[sflag:s15] =	ssyncadd.s32 $0xFFFFFFB0  }
0x4f: {  	[tilespmem:s18], [sflag:$0x1] =	stream.indirect.gather [hbm4b:s4+s17], $0x80, s3, s17, $0xb8;
	[tilespmem:$0x1A900] =	vst v63  }
0x50: {  	_ =	swait.ge [sflag:s19], $0x2800  }
.Ltmp1:
0x51: {  	[sflag:s19] =	ssyncset.done $0x0;
	(pc) =	sbr.rel @p0 .LBB2_4-.Ltmp1, $4  }
0x52: {  	[sflag:s19] =	ssyncadd.s32 $0xFFFFD800  }
0x53: {  	[spmem:s2] =	stream.indirect.scatter.add.f32 [tilespmem:s18], [sflag:$0x2], $0x80, s16, s17, $0xb8;
	[tilespmem:$0x1A900] =	vst v63  }
0x54: {  	_ =	swait.ge [sflag:s15], $0x2800  }
0x55: {  	s24 =	smov.u32 s28;
	[sflag:s15] =	ssyncset.done $0x0  }
0x56: {  	s24 =	sadd.s32 s23, s13;
	[sflag:s15] =	ssyncadd.s32 $0xFFFFD800  }
0x57: {  	[tilespmem:s3], [sflag:$0x2] =	stream.linear.gather [hbm4b:s24+s3], $0x50, $0x38;
	[tilespmem:$0x1A900] =	vst v63  }
0x58: {  	_ =	swait.ge [sflag:s15], $0x50  }
0x59: {  	[sflag:s15] =	ssyncset.done $0x0  }
0x5a: {  	s31 =	sadd.s32 s23, s12;
	[sflag:s15] =	ssyncadd.s32 $0xFFFFFFB0  }
0x5b: {  	[tilespmem:s16], [sflag:$0x2] =	stream.linear.gather [hbm4b:s31+s3], $0x50, $0x38;
	[tilespmem:$0x1A900] =	vst v63  }
0x5c: {  	_ =	swait.ge [sflag:s15], $0x50  }
0x5d: {  	[sflag:s15] =	ssyncset.done $0x0  }
0x5e: {  	[sflag:s15] =	ssyncadd.s32 $0xFFFFFFB0  }
0x5f: {  	[tilespmem:s18], [sflag:$0x1] =	stream.indirect.gather [hbm4b:s4+s17], $0x80, s3, s17, $0xb8;
	[tilespmem:$0x1A900] =	vst v63  }
0x60: {  	_ =	swait.ge [sflag:s19], $0x2800  }
0x61: {  	[sflag:s19] =	ssyncset.done $0x0  }
0x62: {  	[sflag:s19] =	ssyncadd.s32 $0xFFFFD800  }
0x63: {  	[spmem:s2] =	stream.indirect.scatter.add.f32 [tilespmem:s18], [sflag:$0x2], $0x80, s16, s17, $0xb8;
	[tilespmem:$0x1A900] =	vst v63  }
0x64: {  	_ =	swait.ge [sflag:s15], $0x2800  }
0x65: {  	s22 =	sadd.s32 $0x1, s22;
	[sflag:s15] =	ssyncset.done $0x0  }
0x66: {  	p0 =	sne.s32 s22, s11;
	[sflag:s15] =	ssyncadd.s32 $0xFFFFD800  }
.Ltmp2:
0x67: {  	[bflag:$0x0] =	sbarrier.arrive $0xFFFF;
	(pc) =	sbr.rel @p0 .LBB2_1-.Ltmp2, $4  }
0x68: {  	[hbm:s10], [sflag:s20] =	dma.local [spmem:s21], $0x2800  }
0x69: {  	_ =	swait.ge [sflag:s15], $0x2800  }
0x6a: {  	[sflag:s15] =	ssyncset.done $0x0  }
0x6b: {  	[sflag:s15] =	ssyncadd.s32 $0xFFFFD800  }
0x6c: {  	_ =	sfence.sel $0x180000  }
0x6d: {  	[bflag:$0x0] =	sbarrier.arrive $0xFFFF  }
0x6e: {  	p0 =	sne.s32 s1, $0x0;
	_ =	strace $0x9000004D  }
0x6f: {  	s0 =	sadd.s32 @!p0 $0x100000, s0;
	[bflag:$0x2] =	sbarrier.arrive $0xFFFF  }
0x70: {  	[sflag:s0] =	ssyncadd.tile.s32 @!p0 $0x1;
	_ =	shalt  }
.Lfunc_end2:
_tile_overlayer_lowered:
.L_overlay_start_2:
0x71: {  	(tag) =	ssettag $0x2  }
0x72: {  	s0 =	rddreg [dreg:$0x0];
	s2 =	stileid.u32  }
0x73: {  	s1 =	rddreg [dreg:$0x1];
	p0 =	sne.s32 s2, $0x0  }
0x74: {  	s3 =	rddreg [dreg:$0x2];
	[bflag:$0x3] =	sbarrier.arrive $0xFFFF;
	s2 =	simm.s32 @!p0 $0x1C02  }
0x75: {  	[timem:s3], [sflag:s2] =	dma.local @!p0 [hbm:s0], s1  }
0x76: {  	s0 =	simm.s32 @!p0 $0x2  }
0x77: {  	_ =	swait.ge @!p0 [sflag:s0], s1  }
0x78: {  	s1 =	ssub.s32 @!p0 $0x0, s1;
	[sflag:s0] =	ssyncset.done @!p0 $0x0  }
0x79: {  	[sflag:s0] =	ssyncadd.s32 @!p0 s1  }
0x7a: {  	[bflag:$0x3] =	sbarrier.arrive $0xFFFF  }
0x7b: {  	_ =	shalt  }

// kernel: kernel.20.cloned.1.call-start
scs
__scs_entry_jumppad:
0x0: {  	(pc) =	sbr.rel $0x88, $3  }
0x1: {  	(tag) =	ssettag $0x0;
	lr =	simm.s32 $0x1  }
0x2: {  	[smem:$0x3F95] =	sst lr;
	_ =	strace $0xD0000000  }
0x3: {  	_ = 	snop  }
0x4: {  	_ = 	snop  }
0x5: {  	_ = 	snop  }
0x6: {  	_ = 	snop  }
0x7: {  	_ = 	snop  }
__scs_overlays_trampoline_lowered:
0x8: {  	[smem:$0x3FA4] =	sst s0  }
0x9: {  	[smem:$0x3FA5] =	sst s1  }
0xa: {  	[smem:$0x3FA6] =	sst s2  }
0xb: {  	[smem:$0x3FA7] =	sst s3  }
0xc: {  	[smem:$0x3FA8] =	sst s4  }
0xd: {  	[smem:$0x3FA9] =	sst s5  }
0xe: {  	[smem:$0x3FAA] =	sst s6  }
0xf: {  	[smem:$0x3FAB] =	sst s7  }
0x10: {  	[smem:$0x3FAC] =	sst s8  }
0x11: {  	[smem:$0x3FAD] =	sst s9;
	s0 =	simm.s32 @!p0 $0x0  }
0x12: {  	s1 =	sld [smem:$0x3F93];
	s0 =	simm.s32 @p0 $0x1  }
0x13: {  	[smem:$0x3FAE] =	sst s0;
	s0 =	simm.s32 @!p1 $0x0  }
0x14: {  	s2 =	sld [smem:$0x3F92];
	s0 =	simm.s32 @p1 $0x1  }
0x15: {  	[smem:$0x3FAF] =	sst s0;
	s0 =	simm.s32 @!p2 $0x0  }
0x16: {  	s3 =	sld [smem:$0x3FDB];
	s0 =	simm.s32 @p2 $0x1  }
0x17: {  	s4 =	simm.s32 $0x1BF5;
	[smem:$0x3FB1] =	sst s0  }
0x18: {  	s0 =	sld [smem:$0x3F94];
	_ =	swait.ge [sflag:s4], $0x0  }
0x19: {  	s7 =	sld [smem:$0x3F95]  }
0x1a: {  	s8 =	sadd.s32 $0xFFFFE003, lr  }
0x1b: {  	s9 =	sadd.s32 $0xFFFFFEF7, lr;
	s5 =	simm.s32 $0xFFFFFFFF;
	p2 =	slt.u32 s8, $0xFFFFF086  }
0x1c: {  	p1 =	slt.u32 s9, $0xF7A;
	s5 =	simm.s32 @!p2 $0x0  }
0x1d: {  	s5 =	simm.s32 @p1 $0x1;
	p0 =	seq.s32 s7, s2  }
0x1e: {  	s7 =	smul.u32 @!p0 $0xF7A, s2;
	p2 =	seq.s32 @!p0 s5, $0x0  }
0x1f: {  	s9 =	smul.u32 $0xF7A, s1;
	s8 =	simm.s32 @!p0 $0x1BF5;
	p2 =	por !p2, p0  }
0x20: {  	[sflag:s8] =	ssyncset.s32 @!p0 $0xFFFFF086;
	s6 =	sadd.s32 @!p0 s3, s7;
	s7 =	simm.s32 @!p0 $0x108  }
0x21: {  	s3 =	sadd.s32 s3, s9;
	s6 =	sadd.s32 @!p0 $0x88, s6;
	s7 =	simm.s32 @p2 $0x1082  }
0x22: {  	[simem:s7], [sflag:s8] =	dma.local @!p0 [hbm:s6], $0xF7A  }
0x23: {  	s9 =	sor.u32 $0xD0000000, s2;
	s6 =	simm.s32 $0x108;
	_ =	swait.ge @!p0 [sflag:s8], $0x0  }
0x24: {  	s3 =	sadd.s32 $0x88, s3;
	s6 =	simm.s32 @!p1 $0x1082;
	[sflag:s4] =	ssyncset.s32 $0xFFFFF086  }
0x25: {  	[simem:s6], [sflag:s4] =	dma.local [hbm:s3], $0xF7A  }
0x26: {  	[smem:$0x3F95] =	sst s1;
	(tag) =	ssettag s2;
	_ =	strace s9  }
0x27: {  	s1 =	sld [smem:$0x3FA5]  }
0x28: {  	s2 =	sld [smem:$0x3FA6]  }
0x29: {  	s4 =	sld [smem:$0x3FA8]  }
0x2a: {  	p0 =	seq.s32 s5, $0x0;
	s5 =	sld [smem:$0x3FA9]  }
0x2b: {  	s6 =	sld [smem:$0x3FAA]  }
0x2c: {  	s7 =	sld [smem:$0x3FAB]  }
0x2d: {  	s3 =	simm.s32 $0x108;
	s8 =	sld [smem:$0x3FAC]  }
0x2e: {  	s3 =	simm.s32 @!p0 $0x1082;
	s9 =	sld [smem:$0x3FAD]  }
0x2f: {  	lr =	sadd.s32 s0, s3;
	s0 =	sld [smem:$0x3FA4]  }
0x30: {  	s3 =	sld [smem:$0x3FA7]  }
0x31: {  	[smem:$0x3FB0] =	sst s10  }
0x32: {  	s10 =	sld [smem:$0x3FAE];
	_ =	sdelay $0x3  }
0x33: {  	p0 =	seq.s32 s10, $0x1;
	s10 =	sld [smem:$0x3FB0];
	_ =	sdelay $0x3  }
0x34: {  	[smem:$0x3FB0] =	sst s10  }
0x35: {  	s10 =	sld [smem:$0x3FAF];
	_ =	sdelay $0x3  }
0x36: {  	p1 =	seq.s32 s10, $0x1;
	s10 =	sld [smem:$0x3FB0];
	_ =	sdelay $0x3  }
0x37: {  	[smem:$0x3FB0] =	sst s10  }
0x38: {  	s10 =	sld [smem:$0x3FB1]  }
0x39: {  	_ = 	snop;
	(pc) =	sbr.ind lr, $3  }
0x3a: {  	_ = 	snop  }
0x3b: {  	_ = 	snop  }
0x3c: {  	p2 =	seq.s32 s10, $0x1;
	s10 =	sld [smem:$0x3FB0]  }
0x3d: {  	_ =	shalt  }
0x3e: {  	_ =	shalt  }
0x3f: {  	_ =	shalt  }
0x40: {  	_ =	shalt  }
0x41: {  	_ =	shalt  }
0x42: {  	_ =	shalt  }
0x43: {  	_ =	shalt  }
0x44: {  	_ =	shalt  }
0x45: {  	_ =	shalt  }
0x46: {  	_ =	shalt  }
0x47: {  	_ =	shalt  }
0x48: {  	_ =	shalt  }
0x49: {  	_ =	shalt  }
0x4a: {  	_ =	shalt  }
0x4b: {  	_ =	shalt  }
0x4c: {  	_ =	shalt  }
0x4d: {  	_ =	shalt  }
0x4e: {  	_ =	shalt  }
0x4f: {  	_ =	shalt  }
0x50: {  	_ =	shalt  }
0x51: {  	_ =	shalt  }
0x52: {  	_ =	shalt  }
0x53: {  	_ =	shalt  }
0x54: {  	_ =	shalt  }
0x55: {  	_ =	shalt  }
0x56: {  	_ =	shalt  }
0x57: {  	_ =	shalt  }
0x58: {  	_ =	shalt  }
0x59: {  	_ =	shalt  }
0x5a: {  	_ =	shalt  }
0x5b: {  	_ =	shalt  }
0x5c: {  	_ =	shalt  }
0x5d: {  	_ =	shalt  }
0x5e: {  	_ =	shalt  }
0x5f: {  	_ =	shalt  }
0x60: {  	_ =	shalt  }
0x61: {  	_ =	shalt  }
0x62: {  	_ =	shalt  }
0x63: {  	_ =	shalt  }
0x64: {  	_ =	shalt  }
0x65: {  	_ =	shalt  }
0x66: {  	_ =	shalt  }
0x67: {  	_ =	shalt  }
0x68: {  	_ =	shalt  }
0x69: {  	_ =	shalt  }
0x6a: {  	_ =	shalt  }
0x6b: {  	_ =	shalt  }
0x6c: {  	_ =	shalt  }
0x6d: {  	_ =	shalt  }
0x6e: {  	_ =	shalt  }
0x6f: {  	_ =	shalt  }
0x70: {  	_ =	shalt  }
0x71: {  	_ =	shalt  }
0x72: {  	_ =	shalt  }
0x73: {  	_ =	shalt  }
0x74: {  	_ =	shalt  }
0x75: {  	_ =	shalt  }
0x76: {  	_ =	shalt  }
0x77: {  	_ =	shalt  }
0x78: {  	_ =	shalt  }
0x79: {  	_ =	shalt  }
0x7a: {  	_ =	shalt  }
0x7b: {  	_ =	shalt  }
0x7c: {  	_ =	shalt  }
0x7d: {  	_ =	shalt  }
0x7e: {  	_ =	shalt  }
0x7f: {  	_ =	shalt  }
0x80: {  	_ =	shalt  }
0x81: {  	_ =	shalt  }
0x82: {  	_ =	shalt  }
0x83: {  	_ =	shalt  }
0x84: {  	_ =	shalt  }
0x85: {  	_ =	shalt  }
0x86: {  	_ =	shalt  }
0x87: {  	_ =	shalt  }
.Lfunc_end0:
.L_simem_size_0:
called_computation.3_lowered:
.L_overlay_start_0:
0x88: {  	s2 =	sld [smem:$0x3FD9]  }
0x89: {  	s3 =	sld [smem:$0x3FFE];
	_ =	sdelay $0x1  }
0x8a: {  	s1 =	srdreg.scid  }
0x8b: {  	s0 =	sand.u32 $0x1, s1  }
0x8c: {  	s16 =	sshll.u32 s0, $0xA;
	s2 =	sadd.s32 s3, s2  }
0x8d: {  	s2 =	sadd.s32 s2, s16  }
0x8e: {  	[smem:$0x3FBC] =	sst s2  }
0x8f: {  	_ = 	snop  }
0x90: {  	(tm) =	ssettm $0x1  }
0x91: {  	s17 =	sld [smem:$0x3FFB];
	_ =	sdelay $0x3  }
0x92: {  	_ =	strace s17  }
0x93: {  	s2 =	sld [smem:$0x3FFC];
	_ =	sdelay $0x3  }
0x94: {  	_ =	strace s2  }
0x95: {  	s2 =	sld [smem:$0x3FFD];
	_ =	sdelay $0x3  }
0x96: {  	_ =	strace s2  }
0x97: {  	_ =	strace $0x8FFFFFFF  }
0x98: {  	s18 =	sld [smem:$0x3FDB];
	_ =	sdelay $0x1  }
0x99: {  	s19 =	simm.s32 $_scs_section_size  }
0x9a: {  	s4 =	simm.s32 $_size__tile_overlayer_lowered;
	s5 =	simm.s32 $_tile_overlayer_lowered  }
0x9b: {  	s22 =	simm.s32 $0x1BFF;
	s21 =	sshll.u32 s5, $0x1;
	s2 =	sadd.s32 s19, s18  }
0x9c: {  	s6 =	simm.s32 $0x0;
	s20 =	sshll.u32 s4, $0x1;
	s4 =	sadd.s32 s21, s2  }
0x9d: {  	[timem:s6], [sflag:s22] =	dma.local [hbm:s4], s20  }
0x9e: {  	_ =	swait.ge [sflag:s22], s20  }
0x9f: {  	s3 =	ssub.s32 $0x0, s20;
	[sflag:s22] =	ssyncset.done $0x0  }
0xa0: {  	[sflag:s22] =	ssyncadd.s32 s3;
	_ =	sdelay $0x1  }
0xa1: {  	s23 =	simm.s32 $0x1B8B  }
0xa2: {  	_ =	swait.ge [sflag:s23], $0x1  }
0xa3: {  	[sflag:s23] =	ssyncset.done $0x0  }
0xa4: {  	s25 =	simm.s32 $0x1B8E;
	s24 =	sld [smem:$0x3FFE];
	[sflag:s23] =	ssyncadd.s32 $0xFFFFFFFF  }
0xa5: {  	s26 =	simm.s32 $execute0_lowered;
	[smem:$0x3FD2] =	sst s25  }
0xa6: {  	s4 =	sshll.u32 s26, $0x1;
	_ =	strace $0x8000004F;
	[dreg:$0x1] =	wrdreg $0xFFFFFFFF  }
0xa7: {  	s28 =	simm.s32 $_size_execute0_lowered;
	s2 =	sadd.s32 s2, s4;
	[dreg:$0x0] =	wrdreg $0x0  }
0xa8: {  	s4 =	sshll.u32 s28, $0x1;
	[dreg:$0x2] =	wrdreg s2  }
0xa9: {  	[dreg:$0x3] =	wrdreg s4  }
0xaa: {  	[dreg:$0x4] =	wrdreg $0xC0  }
0xab: {  	_ =	task [dreg:s6], $0x5FFFF  }
0xac: {  	[dreg:$0x1] =	wrdreg $0xFFFFFFFF  }
0xad: {  	[dreg:$0x0] =	wrdreg $0x60  }
0xae: {  	[dreg:$0x2] =	wrdreg s24  }
0xaf: {  	[dreg:$0x3] =	wrdreg $0x69000  }
0xb0: {  	[dreg:$0x4] =	wrdreg $0x9  }
0xb1: {  	_ =	task.clear_ibuf [dreg:s6], $0x5FFFF;
	_ =	strace $0x9000004F  }
0xb2: {  	s29 =	simm.s32 $0x9;
	_ =	strace $0x80000051  }
0xb3: {  	_ =	swait.ge [sflag:s29], $0x1  }
0xb4: {  	[sflag:s29] =	ssyncadd.s32 $0xFFFFFFFF  }
0xb5: {  	_ =	strace $0x90000051  }
0xb6: {  	_ =	sfence  }
0xb7: {  	s30 =	sld [smem:$0x0];
	_ =	sdelay $0x2  }
0xb8: {  	s31 =	sshll.u32 s1, $0xD;
	s1 =	sshrl.u32 s1, $0x2  }
0xb9: {  	s3 =	sand.u32 $0x4000, s31;
	s1 =	sadd.s32 s1, s30  }
0xba: {  	s0 =	sor.u32 s3, s0;
	s1 =	sshll.u32 s1, $0x11  }
0xbb: {  	s0 =	sor.u32 s1, s0  }
0xbc: {  	s0 =	sadd.s32 $0x8F2B, s0  }
0xbd: {  	[sflag:s0] =	ssyncadd.remote.s32 $0x1  }
0xbe: {  	_ =	sfence.sel $0xFFFF  }
0xbf: {  	[dreg:$0x0] =	wrdreg $0xFFFFFFFF;
	(pc) =	sbr.abs _section_cstart, $3  }
0xc0: {  	[dreg:$0x1] =	wrdreg $0xFFFFFFFF  }
0xc1: {  	_ =	task.clear_ibuf [dreg:s6], $0x2FFFF;
	_ =	strace $0x9FFFFFFF  }
0xc2: {  	(tm) =	ssettm $0x7FFFFFFF  }
0xc3: {  	_ =	shalt  }
tec
execute0_lowered:
.L_overlay_start_1:
0x0: {  	(tag) =	ssettag $0x1  }
0x1: {  	s5 =	rddreg [dreg:$0x0];
	s0 =	srdreg.scid  }
0x2: {  	s2 =	rddreg [dreg:$0x1];
	s1 =	stileid.u32;
	s3 =	simm.s32 $0x0  }
0x3: {  	s14 =	simm.s32 $0x2900;
	s15 =	simm.s32 $0x2;
	s16 =	simm.s32 $0x80  }
0x4: {  	s17 =	simm.s32 $0x50;
	s18 =	simm.s32 $0x100;
	s7 =	smul.u32 $0x2710, s1  }
0x5: {  	s19 =	simm.s32 $0x1;
	s22 =	simm.s32 $0x0;
	s9 =	smul.u32 $0x14000, s1  }
0x6: {  	s6 =	sand.u32 $0x1, s0;
	s0 =	rddreg [dreg:$0x2];
	s10 =	smul.u32 $0x50000, s1  }
0x7: {  	[smem:$0x7FF] =	sst s3;
	s20 =	sshll.u32 s1, $0x6;
	s4 =	smul.u32 $0x27100, s6  }
0x8: {  	s8 =	smul.u32 $0x140000, s6;
	_ =	strace $0x80000050;
	s6 =	ssub.s32 $0x2, s6  }
0x9: {  	s20 =	sor.u32 $0x1C02, s20;
	s29 =	sshrl.u32 s6, $0x1;
	s7 =	sadd.s32 s7, s4  }
0xa: {  	s30 =	sshrl.u32 s10, $0x2;
	s28 =	sadd.s32 s9, s8;
	s7 =	sshrl.u32 s7, $0x3  }
0xb: {  	s11 =	ssub.s32 s6, s29;
	s13 =	sadd.s32 s7, s5;
	s7 =	sshrl.u32 s28, $0x3  }
0xc: {  	s4 =	sadd.s32 $0x16400, s5;
	s11 =	smax.u32 s11, $0x1;
	s31 =	sadd.s32 s7, s5  }
0xd: {  	s5 =	sadd.s32 s30, s2;
	s12 =	sadd.s32 $0x2800, s13;
	s13 =	sadd.s32 $0xC600, s13  }
0xe: {  	s6 =	sadd.s32 $0x4000, s5;
	s7 =	sadd.s32 $0x8000, s5;
	s8 =	sadd.s32 $0xC000, s5  }
0xf: {  	v0 =	vimm.f32 $0.0e+00;
	s9 =	sadd.s32 $0x10000, s5;
	s10 =	sadd.s32 $0x3D600, s31;
	s21 =	sshrl.u32 s5, $0x3  }
.LBB2_1:
0x10: {  	s23 =	simm.s32 $0x0;
	s24 =	simm.s32 $0x200  }
.LBB2_2:
0x11: {  	p0 =	sne.s32 s24, $0xFE00;
	[tilespmem:s23+$0x2970] =	vst v0  }
0x12: {  	[tilespmem:s23+$0x2900] =	vst v0  }
0x13: {  	[tilespmem:s23+$0x2910] =	vst v0  }
.Ltmp0:
0x14: {  	[tilespmem:s23+$0x2920] =	vst v0;
	(pc) =	sbr.rel @p0 .LBB2_2-.Ltmp0, $4  }
0x15: {  	[tilespmem:s23+$0x2930] =	vst v0  }
0x16: {  	[tilespmem:s23+$0x2940] =	vst v0  }
0x17: {  	[tilespmem:s23+$0x2950] =	vst v0  }
0x18: {  	[tilespmem:s23+$0x2960] =	vst v0;
	s23 =	sshra.s32 s24, $0x2;
	s24 =	sadd.s32 $0x200, s24  }
0x19: {  	[tilespmem:s23+$0x2970] =	vst v0  }
0x1a: {  	[tilespmem:s23+$0x2900] =	vst v0  }
0x1b: {  	[tilespmem:s23+$0x2910] =	vst v0  }
0x1c: {  	[tilespmem:s23+$0x2920] =	vst v0  }
0x1d: {  	[tilespmem:s23+$0x2930] =	vst v0  }
0x1e: {  	[tilespmem:s23+$0x2940] =	vst v0  }
0x1f: {  	[tilespmem:s23+$0x2950] =	vst v0  }
0x20: {  	[tilespmem:s23+$0x2960] =	vst v0  }
0x21: {  	[spmem:s5] =	stream.linear.scatter [tilespmem:s14], [sflag:$0x2], $0x4000, $0x38;
	[tilespmem:$0x1A900] =	vst v63  }
0x22: {  	_ =	swait.ge [sflag:s15], $0x4000  }
0x23: {  	[sflag:s15] =	ssyncset.done $0x0  }
0x24: {  	[sflag:s15] =	ssyncadd.s32 $0xFFFFC000  }
0x25: {  	[spmem:s6] =	stream.linear.scatter [tilespmem:s14], [sflag:$0x2], $0x4000, $0x38;
	[tilespmem:$0x1A900] =	vst v63  }
0x26: {  	_ =	swait.ge [sflag:s15], $0x4000  }
0x27: {  	[sflag:s15] =	ssyncset.done $0x0  }
0x28: {  	[sflag:s15] =	ssyncadd.s32 $0xFFFFC000  }
0x29: {  	[spmem:s7] =	stream.linear.scatter [tilespmem:s14], [sflag:$0x2], $0x4000, $0x38;
	[tilespmem:$0x1A900] =	vst v63  }
0x2a: {  	_ =	swait.ge [sflag:s15], $0x4000  }
0x2b: {  	[sflag:s15] =	ssyncset.done $0x0  }
0x2c: {  	[sflag:s15] =	ssyncadd.s32 $0xFFFFC000  }
0x2d: {  	[spmem:s8] =	stream.linear.scatter [tilespmem:s14], [sflag:$0x2], $0x4000, $0x38;
	[tilespmem:$0x1A900] =	vst v63  }
0x2e: {  	_ =	swait.ge [sflag:s15], $0x4000  }
0x2f: {  	[sflag:s15] =	ssyncset.done $0x0  }
0x30: {  	[sflag:s15] =	ssyncadd.s32 $0xFFFFC000  }
0x31: {  	[spmem:s9] =	stream.linear.scatter [tilespmem:s14], [sflag:$0x2], $0x4000, $0x38;
	[tilespmem:$0x1A900] =	vst v63  }
0x32: {  	_ =	swait.ge [sflag:s15], $0x4000  }
0x33: {  	[sflag:s15] =	ssyncset.done $0x0  }
0x34: {  	[sflag:s15] =	ssyncadd.s32 $0xFFFFC000  }
0x35: {  	s30 =	sadd.s32 $0x0, s13;
	[bflag:$0x0] =	sbarrier.arrive $0xFFFF  }
0x36: {  	[tilespmem:s3], [sflag:$0x2] =	stream.linear.gather [hbm4b:s30+s3], $0x50, $0x38;
	[tilespmem:$0x1A900] =	vst v63  }
0x37: {  	_ =	swait.ge [sflag:s15], $0x50  }
0x38: {  	[sflag:s15] =	ssyncset.done $0x0  }
0x39: {  	s31 =	sadd.s32 $0x0, s12;
	[sflag:s15] =	ssyncadd.s32 $0xFFFFFFB0  }
0x3a: {  	[tilespmem:s16], [sflag:$0x2] =	stream.linear.gather [hbm4b:s31+s3], $0x50, $0x38;
	[tilespmem:$0x1A900] =	vst v63  }
0x3b: {  	_ =	swait.ge [sflag:s15], $0x50  }
0x3c: {  	[sflag:s15] =	ssyncset.done $0x0  }
0x3d: {  	[sflag:s15] =	ssyncadd.s32 $0xFFFFFFB0  }
0x3e: {  	[tilespmem:s18], [sflag:$0x1] =	stream.indirect.gather [hbm4b:s4+s17], $0x80, s3, s17, $0xb8;
	[tilespmem:$0x1A900] =	vst v63  }
0x3f: {  	_ =	swait.ge [sflag:s19], $0x2800  }
0x40: {  	[sflag:s19] =	ssyncset.done $0x0  }
0x41: {  	[sflag:s19] =	ssyncadd.s32 $0xFFFFD800  }
0x42: {  	[spmem:s2] =	stream.indirect.scatter.add.f32 [tilespmem:s18], [sflag:$0x2], $0x80, s16, s17, $0xb8;
	[tilespmem:$0x1A900] =	vst v63  }
0x43: {  	_ =	swait.ge [sflag:s15], $0x2800  }
0x44: {  	s23 =	simm.s32 $0xA;
	s24 =	simm.s32 $0x14;
	[sflag:s15] =	ssyncset.done $0x0  }
.LBB2_4:
0x45: {  	s25 =	sadd.s32 s23, s13  }
0x46: {  	[sflag:s15] =	ssyncadd.s32 $0xFFFFD800;
	s26 =	smov.u32 s24;
	s28 =	sadd.s32 $0xA, s24  }
0x47: {  	[tilespmem:s3], [sflag:$0x2] =	stream.linear.gather [hbm4b:s25+s3], $0x50, $0x38;
	[tilespmem:$0x1A900] =	vst v63  }
0x48: {  	p0 =	sne.s32 s24, $0x4D8;
	_ =	swait.ge [sflag:s15], $0x50  }
0x49: {  	[sflag:s15] =	ssyncset.done $0x0  }
0x4a: {  	s24 =	sadd.s32 s23, s12;
	s23 =	smov.u32 s26;
	[sflag:s15] =	ssyncadd.s32 $0xFFFFFFB0  }
0x4b: {  	[tilespmem:s16], [sflag:$0x2] =	stream.linear.gather [hbm4b:s24+s3], $0x50, $0x38;
	[tilespmem:$0x1A900] =	vst v63  }
0x4c: {  	_ =	swait.ge [sflag:s15], $0x50  }
0x4d: {  	[sflag:s15] =	ssyncset.done $0x0  }
0x4e: {  	[sflag:s15] =	ssyncadd.s32 $0xFFFFFFB0  }
0x4f: {  	[tilespmem:s18], [sflag:$0x1] =	stream.indirect.gather [hbm4b:s4+s17], $0x80, s3, s17, $0xb8;
	[tilespmem:$0x1A900] =	vst v63  }
0x50: {  	_ =	swait.ge [sflag:s19], $0x2800  }
.Ltmp1:
0x51: {  	[sflag:s19] =	ssyncset.done $0x0;
	(pc) =	sbr.rel @p0 .LBB2_4-.Ltmp1, $4  }
0x52: {  	[sflag:s19] =	ssyncadd.s32 $0xFFFFD800  }
0x53: {  	[spmem:s2] =	stream.indirect.scatter.add.f32 [tilespmem:s18], [sflag:$0x2], $0x80, s16, s17, $0xb8;
	[tilespmem:$0x1A900] =	vst v63  }
0x54: {  	_ =	swait.ge [sflag:s15], $0x2800  }
0x55: {  	s24 =	smov.u32 s28;
	[sflag:s15] =	ssyncset.done $0x0  }
0x56: {  	s24 =	sadd.s32 s23, s13;
	[sflag:s15] =	ssyncadd.s32 $0xFFFFD800  }
0x57: {  	[tilespmem:s3], [sflag:$0x2] =	stream.linear.gather [hbm4b:s24+s3], $0x50, $0x38;
	[tilespmem:$0x1A900] =	vst v63  }
0x58: {  	_ =	swait.ge [sflag:s15], $0x50  }
0x59: {  	[sflag:s15] =	ssyncset.done $0x0  }
0x5a: {  	s31 =	sadd.s32 s23, s12;
	[sflag:s15] =	ssyncadd.s32 $0xFFFFFFB0  }
0x5b: {  	[tilespmem:s16], [sflag:$0x2] =	stream.linear.gather [hbm4b:s31+s3], $0x50, $0x38;
	[tilespmem:$0x1A900] =	vst v63  }
0x5c: {  	_ =	swait.ge [sflag:s15], $0x50  }
0x5d: {  	[sflag:s15] =	ssyncset.done $0x0  }
0x5e: {  	[sflag:s15] =	ssyncadd.s32 $0xFFFFFFB0  }
0x5f: {  	[tilespmem:s18], [sflag:$0x1] =	stream.indirect.gather [hbm4b:s4+s17], $0x80, s3, s17, $0xb8;
	[tilespmem:$0x1A900] =	vst v63  }
0x60: {  	_ =	swait.ge [sflag:s19], $0x2800  }
0x61: {  	[sflag:s19] =	ssyncset.done $0x0  }
0x62: {  	[sflag:s19] =	ssyncadd.s32 $0xFFFFD800  }
0x63: {  	[spmem:s2] =	stream.indirect.scatter.add.f32 [tilespmem:s18], [sflag:$0x2], $0x80, s16, s17, $0xb8;
	[tilespmem:$0x1A900] =	vst v63  }
0x64: {  	_ =	swait.ge [sflag:s15], $0x2800  }
0x65: {  	s22 =	sadd.s32 $0x1, s22;
	[sflag:s15] =	ssyncset.done $0x0  }
0x66: {  	p0 =	sne.s32 s22, s11;
	[sflag:s15] =	ssyncadd.s32 $0xFFFFD800  }
.Ltmp2:
0x67: {  	[bflag:$0x0] =	sbarrier.arrive $0xFFFF;
	(pc) =	sbr.rel @p0 .LBB2_1-.Ltmp2, $4  }
0x68: {  	[hbm:s10], [sflag:s20] =	dma.local [spmem:s21], $0x2800  }
0x69: {  	_ =	swait.ge [sflag:s15], $0x2800  }
0x6a: {  	[sflag:s15] =	ssyncset.done $0x0  }
0x6b: {  	[sflag:s15] =	ssyncadd.s32 $0xFFFFD800  }
0x6c: {  	_ =	sfence.sel $0x180000  }
0x6d: {  	[bflag:$0x0] =	sbarrier.arrive $0xFFFF  }
0x6e: {  	p0 =	sne.s32 s1, $0x0;
	_ =	strace $0x90000050  }
0x6f: {  	s0 =	sadd.s32 @!p0 $0x100000, s0;
	[bflag:$0x2] =	sbarrier.arrive $0xFFFF  }
0x70: {  	[sflag:s0] =	ssyncadd.tile.s32 @!p0 $0x1;
	_ =	shalt  }
.Lfunc_end2:
_tile_overlayer_lowered:
.L_overlay_start_2:
0x71: {  	(tag) =	ssettag $0x2  }
0x72: {  	s0 =	rddreg [dreg:$0x0];
	s2 =	stileid.u32  }
0x73: {  	s1 =	rddreg [dreg:$0x1];
	p0 =	sne.s32 s2, $0x0  }
0x74: {  	s3 =	rddreg [dreg:$0x2];
	[bflag:$0x3] =	sbarrier.arrive $0xFFFF;
	s2 =	simm.s32 @!p0 $0x1C02  }
0x75: {  	[timem:s3], [sflag:s2] =	dma.local @!p0 [hbm:s0], s1  }
0x76: {  	s0 =	simm.s32 @!p0 $0x2  }
0x77: {  	_ =	swait.ge @!p0 [sflag:s0], s1  }
0x78: {  	s1 =	ssub.s32 @!p0 $0x0, s1;
	[sflag:s0] =	ssyncset.done @!p0 $0x0  }
0x79: {  	[sflag:s0] =	ssyncadd.s32 @!p0 s1  }
0x7a: {  	[bflag:$0x3] =	sbarrier.arrive $0xFFFF  }
0x7b: {  	_ =	shalt  }

</sc_bundles>
